<compile_context>
chip_gen: v7x
topology: tpu7x:2x2x1
jax: 0.10.2.dev20260603
libtpu: 0.0.44.dev20260713+nightly
codegen_flags: <defaults>
</compile_context>

<pallas_src>
import functools

import jax
import jax.numpy as jnp
from jax import lax
from jax.experimental import pallas as pl
from jax.experimental.pallas import tpu as pltpu
from jax.experimental.pallas import tpu_sc as plsc

N_NODES = 10000
N_EDGES = 320000
NODE_DIM = 128
ER_DIM = 16
EA_DIM = 16
EC_DIM = ER_DIM + EA_DIM
MSG_DIM = NODE_DIM + EC_DIM

NC = 2
NS = 16
NW = NC * NS
EPT = N_EDGES // NW
CH = 80
NCH = EPT // CH
CHS = 40
NCHS = EPT // CHS
E16 = EPT // 16
H16 = N_NODES // 16
NPS = N_NODES // NS

BE = 2000
BN = 2000

_mesh = plsc.VectorSubcoreMesh(core_axis_name="c", subcore_axis_name="s")
_sc_params = pltpu.CompilerParams(needs_layout_passes=False, use_tc_tiling_on_sc=False)


def _k1_body(nf_hbm, src_hbm, dst_hbm, srcf32_hbm,
             srcf_hbm, dstf_hbm, src2f_hbm, hist_hbm,
             src_t, dst_t, src2_t, src10k, hist_t, gbuf, sem):
    c = lax.axis_index("c")
    s = lax.axis_index("s")
    wid = s * NC + c
    base = wid * EPT

    pltpu.sync_copy(src_hbm.at[pl.ds(base, EPT)], src_t)
    pltpu.sync_copy(dst_hbm.at[pl.ds(base, EPT)], dst_t)
    pltpu.sync_copy(srcf32_hbm, src10k)

    def s2_body(i, carry):
        idx = src_t[pl.ds(i * 16, 16)]
        vals = plsc.load_gather(src10k, [idx])
        src2_t[pl.ds(i * 16, 16)] = plsc.bitcast(vals, jnp.int32)
        return carry
    lax.fori_loop(0, E16, s2_body, 0)

    zero16 = jnp.zeros((16,), jnp.float32)
    one16 = jnp.ones((16,), jnp.float32)

    def z_body(i, carry):
        hist_t[pl.ds(i * 16, 16)] = zero16
        return carry
    lax.fori_loop(0, H16, z_body, 0)

    def h_body(i, carry):
        plsc.addupdate_scatter(hist_t, [dst_t[pl.ds(i * 16, 16)]], one16)
        return carry
    lax.fori_loop(0, E16, h_body, 0)
    pltpu.sync_copy(hist_t, hist_hbm.at[wid])

    def gather_pass(idx_t, out_hbm):
        def g_body(j, carry):
            cp = pltpu.async_copy(nf_hbm.at[idx_t.at[pl.ds(j * CH, CH)]], gbuf, sem)
            cp.wait()
            pltpu.sync_copy(gbuf, out_hbm.at[pl.ds(base + j * CH, CH)])
            return carry
        lax.fori_loop(0, NCH, g_body, 0)

    gather_pass(src_t, srcf_hbm)
    gather_pass(dst_t, dstf_hbm)
    gather_pass(src2_t, src2f_hbm)


_k1 = functools.partial(
    pl.kernel, _k1_body, mesh=_mesh, compiler_params=_sc_params,
    out_type=[
        jax.ShapeDtypeStruct((N_EDGES, NODE_DIM), jnp.float32),
        jax.ShapeDtypeStruct((N_EDGES, NODE_DIM), jnp.float32),
        jax.ShapeDtypeStruct((N_EDGES, NODE_DIM), jnp.float32),
        jax.ShapeDtypeStruct((NW, N_NODES), jnp.float32),
    ],
    scratch_types=[
        pltpu.VMEM((EPT,), jnp.int32),
        pltpu.VMEM((EPT,), jnp.int32),
        pltpu.VMEM((EPT,), jnp.int32),
        pltpu.VMEM((N_NODES,), jnp.float32),
        pltpu.VMEM((N_NODES,), jnp.float32),
        pltpu.VMEM((CH, NODE_DIM), jnp.float32),
        pltpu.SemaphoreType.DMA,
    ],
)()


def _k3_body(inv_hbm, src_hbm, invsrc_hbm, inv_t, src_t, invsrc_t):
    c = lax.axis_index("c")
    s = lax.axis_index("s")
    wid = s * NC + c
    base = wid * EPT

    pltpu.sync_copy(inv_hbm, inv_t)
    pltpu.sync_copy(src_hbm.at[pl.ds(base, EPT)], src_t)

    def g_body(i, carry):
        idx = src_t[pl.ds(i * 16, 16)]
        invsrc_t[pl.ds(i * 16, 16)] = plsc.load_gather(inv_t, [idx])
        return carry
    lax.fori_loop(0, E16, g_body, 0)
    pltpu.sync_copy(invsrc_t, invsrc_hbm.at[pl.ds(base, EPT)])


_k3 = functools.partial(
    pl.kernel, _k3_body, mesh=_mesh, compiler_params=_sc_params,
    out_type=jax.ShapeDtypeStruct((N_EDGES,), jnp.float32),
    scratch_types=[
        pltpu.VMEM((N_NODES,), jnp.float32),
        pltpu.VMEM((EPT,), jnp.int32),
        pltpu.VMEM((EPT,), jnp.float32),
    ],
)()


def _k5_body(sma_hbm, smb_hbm, dst3_hbm, za_hbm, zb_hbm,
             pa_hbm, pb_hbm, idx_t, bufa, bufb, acc_a, acc_b):
    c = lax.axis_index("c")
    s = lax.axis_index("s")
    wid = s * NC + c
    base = wid * EPT

    pltpu.sync_copy(za_hbm.at[pl.ds(s * NPS, NPS)], acc_a.at[pl.ds(s * NPS, NPS)])
    pltpu.sync_copy(zb_hbm.at[pl.ds(s * NPS, NPS)], acc_b.at[pl.ds(s * NPS, NPS)])
    pltpu.sync_copy(dst3_hbm.at[wid], idx_t)
    plsc.subcore_barrier()

    def sc_body(j, carry):
        pltpu.sync_copy(sma_hbm.at[pl.ds(base + j * CHS, CHS)], bufa)
        pltpu.sync_copy(smb_hbm.at[pl.ds(base + j * CHS, CHS)], bufb)
        pltpu.sync_copy(bufa, acc_a.at[idx_t.at[j]], add=True)
        pltpu.sync_copy(bufb, acc_b.at[idx_t.at[j]], add=True)
        return carry
    lax.fori_loop(0, NCHS, sc_body, 0)
    plsc.subcore_barrier()

    pltpu.sync_copy(acc_a.at[pl.ds(s * NPS, NPS)],
                    pa_hbm.at[c, pl.ds(s * NPS, NPS)])
    pltpu.sync_copy(acc_b.at[pl.ds(s * NPS, NPS)],
                    pb_hbm.at[c, pl.ds(s * NPS, NPS)])


_k5 = functools.partial(
    pl.kernel, _k5_body, mesh=_mesh, compiler_params=_sc_params,
    out_type=[
        jax.ShapeDtypeStruct((NC, N_NODES, NODE_DIM), jnp.float32),
        jax.ShapeDtypeStruct((NC, N_NODES, EC_DIM), jnp.float32),
    ],
    scratch_types=[
        pltpu.VMEM((NCHS, CHS), jnp.int32),
        pltpu.VMEM((CHS, NODE_DIM), jnp.float32),
        pltpu.VMEM((CHS, EC_DIM), jnp.float32),
        pltpu.VMEM_SHARED((N_NODES, NODE_DIM), jnp.float32),
        pltpu.VMEM_SHARED((N_NODES, EC_DIM), jnp.float32),
    ],
)()


def _deg_body(hist, inv):
    inv[...] = 1.0 / jnp.sum(hist[...], axis=0, keepdims=True)


def _deg_reduce(hist):
    return pl.pallas_call(
        _deg_body,
        out_shape=jax.ShapeDtypeStruct((1, N_NODES), jnp.float32),
    )(hist)


def _edge_mlp_body(srcf, dstf, src2f, er, ea, invsrc,
                   W1, b1, W2, b2, W3, b3, W4, b4, W5, b5, W6, b6,
                   edge_out, submsg_a, submsg_b):
    x = jnp.concatenate([srcf[...], dstf[...], er[...], ea[...]], axis=1)
    h = jax.nn.relu(jnp.dot(x, W1[...], preferred_element_type=jnp.float32) + b1[...])
    h = jax.nn.relu(jnp.dot(h, W2[...], preferred_element_type=jnp.float32) + b2[...])
    h = jax.nn.relu(jnp.dot(h, W3[...], preferred_element_type=jnp.float32) + b3[...])
    h = jax.nn.relu(jnp.dot(h, W4[...], preferred_element_type=jnp.float32) + b4[...])
    h = jax.nn.relu(jnp.dot(h, W5[...], preferred_element_type=jnp.float32) + b5[...])
    edge_out[...] = jnp.dot(h, W6[...], preferred_element_type=jnp.float32) + b6[...]
    inv = invsrc[...]
    submsg_a[...] = src2f[...] * inv
    submsg_b[...] = jnp.concatenate([er[...], ea[...]], axis=1) * inv


def _full(shape):
    return pl.BlockSpec(shape, lambda i: tuple(0 for _ in shape))


def edge_mlp(srcf, dstf, src2f, er, ea, invsrc,
             W1, b1, W2, b2, W3, b3, W4, b4, W5, b5, W6, b6):
    nblk = N_EDGES // BE
    ws = [W1, b1, W2, b2, W3, b3, W4, b4, W5, b5, W6, b6]
    in_specs = [
        pl.BlockSpec((BE, NODE_DIM), lambda i: (i, 0)),
        pl.BlockSpec((BE, NODE_DIM), lambda i: (i, 0)),
        pl.BlockSpec((BE, NODE_DIM), lambda i: (i, 0)),
        pl.BlockSpec((BE, ER_DIM), lambda i: (i, 0)),
        pl.BlockSpec((BE, EA_DIM), lambda i: (i, 0)),
        pl.BlockSpec((BE, 1), lambda i: (i, 0)),
    ] + [_full(w.shape) for w in ws]
    out_specs = [
        pl.BlockSpec((BE, EC_DIM), lambda i: (i, 0)),
        pl.BlockSpec((BE, NODE_DIM), lambda i: (i, 0)),
        pl.BlockSpec((BE, EC_DIM), lambda i: (i, 0)),
    ]
    return pl.pallas_call(
        _edge_mlp_body,
        grid=(nblk,),
        in_specs=in_specs,
        out_specs=out_specs,
        out_shape=[
            jax.ShapeDtypeStruct((N_EDGES, EC_DIM), jnp.float32),
            jax.ShapeDtypeStruct((N_EDGES, NODE_DIM), jnp.float32),
            jax.ShapeDtypeStruct((N_EDGES, EC_DIM), jnp.float32),
        ],
    )(srcf, dstf, src2f, er, ea, invsrc, *ws)


def _node_body(sa_ref, sb_ref, nf, inv, Wn, bn, out):
    sa = sa_ref[...]
    sb = sb_ref[...]
    invv = inv[...]
    rs = jnp.sqrt(invv)
    m128 = sa * rs + nf[...] * invv
    m32 = sb * rs
    msg = jnp.concatenate([m128, m32], axis=1)
    z = jnp.dot(msg, Wn[...], preferred_element_type=jnp.float32) + bn[...]
    out[...] = z * jax.nn.sigmoid(z)


def node_update(sa, sb, nf, inv, Wn, bn):
    nblk = N_NODES // BN
    return pl.pallas_call(
        _node_body,
        grid=(nblk,),
        in_specs=[
            pl.BlockSpec((BN, NODE_DIM), lambda i: (i, 0)),
            pl.BlockSpec((BN, EC_DIM), lambda i: (i, 0)),
            pl.BlockSpec((BN, NODE_DIM), lambda i: (i, 0)),
            pl.BlockSpec((BN, 1), lambda i: (i, 0)),
            _full(Wn.shape),
            _full(bn.shape),
        ],
        out_specs=pl.BlockSpec((BN, NODE_DIM), lambda i: (i, 0)),
        out_shape=jax.ShapeDtypeStruct((N_NODES, NODE_DIM), jnp.float32),
    )(sa, sb, nf, inv, Wn, bn)


@jax.jit
def kernel(node_features, edge_radial, edge_angular, edge_index,
           Wn, bn, W1, b1, W2, b2, W3, b3, W4, b4, W5, b5, W6, b6):
    src = jnp.remainder(edge_index[0].astype(jnp.int32), jnp.int32(N_NODES))
    dst = jnp.remainder(edge_index[1].astype(jnp.int32), jnp.int32(N_NODES))

    src_lo_f32 = lax.bitcast_convert_type(src[:N_NODES], jnp.float32)
    srcf, dstf, src2f, hist = _k1(node_features, src, dst, src_lo_f32)
    inv2d = _deg_reduce(hist)
    invsrc = _k3(inv2d.reshape(N_NODES), src)

    edge_out, submsg_a, submsg_b = edge_mlp(
        srcf, dstf, src2f, edge_radial, edge_angular, invsrc[:, None],
        W1, b1, W2, b2, W3, b3, W4, b4, W5, b5, W6, b6)

    za = jnp.zeros((N_NODES, NODE_DIM), jnp.float32)
    zb = jnp.zeros((N_NODES, EC_DIM), jnp.float32)
    dst3 = dst.reshape(NW, NCHS, CHS)
    pa, pb = _k5(submsg_a, submsg_b, dst3, za, zb)

    node_out = node_update(pa[0] + pa[1], pb[0] + pb[1], node_features,
                           inv2d.reshape(N_NODES, 1), Wn, bn)
    return (node_out, edge_out)

# --- scband reference (transcript-rebuilt; emitter-appended) ---
"""Pipeline reference for scband-message-passing-3135326126152 (READ-ONLY COPY).

The authoritative reference and input builder live on the scoring server;
editing this copy changes nothing except your own understanding.
"""

import jax, jax.numpy as jnp
import numpy as np

N_NODES = 10000
N_EDGES = 320000
NODE_DIM = 128
ER_DIM = 16
EA_DIM = 16
EC_DIM = ER_DIM + EA_DIM  # 32
IN_DIM = EC_DIM + 2 * NODE_DIM  # 288


def _linear_params(key, fan_in, fan_out):
    k1, k2 = jax.random.split(key)
    lim = 1.0 / np.sqrt(fan_in)
    W = jax.random.uniform(k1, (fan_in, fan_out), minval=-lim, maxval=lim, dtype=jnp.float32)
    b = jax.random.uniform(k2, (fan_out,), minval=-lim, maxval=lim, dtype=jnp.float32)
    return W, b


def setup_inputs(seed: int = 0) -> dict:
    key = jax.random.key(seed)
    ks = jax.random.split(key, 12)
    node_features = jax.random.normal(ks[0], (N_NODES, NODE_DIM), dtype=jnp.float32)
    edge_radial = jax.random.normal(ks[1], (N_EDGES, ER_DIM), dtype=jnp.float32)
    edge_angular = jax.random.normal(ks[2], (N_EDGES, EA_DIM), dtype=jnp.float32)
    edge_index = jax.random.randint(ks[3], (2, N_EDGES), 0, N_NODES, dtype=jnp.int64 if jax.config.jax_enable_x64 else jnp.int32)
    # node_update: Linear(node_dim + ec_dim -> node_dim)
    Wn, bn = _linear_params(ks[4], NODE_DIM + EC_DIM, NODE_DIM)
    # edge_update MLP dims: 288 -> 144 -> 72 -> 36 -> 8 -> 16 -> 32
    dims = [IN_DIM, IN_DIM // 2, IN_DIM // 4, IN_DIM // 8, EC_DIM // 4, EC_DIM // 2, EC_DIM]
    params = {}
    for i in range(6):
        W, b = _linear_params(ks[5 + i], dims[i], dims[i + 1])
        params[f"W{i+1}"] = W
        params[f"b{i+1}"] = b
    out = {
        "node_features": node_features,
        "edge_radial": edge_radial,
        "edge_angular": edge_angular,
        "edge_index": edge_index,
        "Wn": Wn,
        "bn": bn,
    }
    out.update(params)
    return out


def reference(node_features, edge_radial, edge_angular, edge_index,
              Wn, bn, W1, b1, W2, b2, W3, b3, W4, b4, W5, b5, W6, b6):
    num_nodes = node_features.shape[0]
    src = edge_index[0]
    dst = edge_index[1]
    src_features = node_features[src]
    dst_features = node_features[dst]
    edge_inputs = jnp.concatenate([src_features, dst_features, edge_radial, edge_angular], axis=-1)
    h = jax.nn.relu(edge_inputs @ W1 + b1)
    h = jax.nn.relu(h @ W2 + b2)
    h = jax.nn.relu(h @ W3 + b3)
    h = jax.nn.relu(h @ W4 + b4)
    h = jax.nn.relu(h @ W5 + b5)
    edge_features_updated = h @ W6 + b6
    # in-degree: num_neighbours[i] = sum(dst == i)
    in_deg = jax.ops.segment_sum(jnp.ones((src.shape[0],), dtype=jnp.float32), dst, num_segments=num_nodes)
    # faithful to original: src_features[source_node_idx] == node_features[src[src[i]]]
    src2_features = node_features[src[src]]
    submsg = jnp.concatenate([src2_features, edge_radial, edge_angular], axis=-1)
    submsg = submsg / in_deg[src][:, None]
    msg_dim = node_features.shape[1] + edge_radial.shape[1] + edge_angular.shape[1]
    messages = jnp.zeros((num_nodes, msg_dim), dtype=jnp.float32).at[dst].add(submsg)
    sq = jnp.sqrt(in_deg)[:, None]
    messages = messages.at[:, :node_features.shape[1]].add(node_features / sq)
    messages = messages / sq
    node_features_updated = jax.nn.silu(messages @ Wn + bn)
    return (node_features_updated, edge_features_updated)

if __name__ == "__main__":
    import jax
    _d = setup_inputs()
    print(jax.jit(kernel)(*tuple(_d.values())))

</pallas_src>

<mosaic_0001>
#map = affine_map<(d0, d1) -> (0, 0)>
#map1 = affine_map<(d0, d1) -> (0)>
module attributes {stable_mosaic.version = 14 : i64} {
  func.func @_k1_body(%arg0: i32, %arg1: i32, %arg2: memref<10000x128xf32, #tpu.memory_space<hbm>>, %arg3: memref<320000xi32, #tpu.memory_space<hbm>>, %arg4: memref<320000xi32, #tpu.memory_space<hbm>>, %arg5: memref<10000xf32, #tpu.memory_space<hbm>>, %arg6: memref<320000x128xf32, #tpu.memory_space<hbm>>, %arg7: memref<320000x128xf32, #tpu.memory_space<hbm>>, %arg8: memref<320000x128xf32, #tpu.memory_space<hbm>>, %arg9: memref<32x10000xf32, #tpu.memory_space<hbm>>, %arg10: memref<10000xi32, #tpu.memory_space<vmem>>, %arg11: memref<10000xi32, #tpu.memory_space<vmem>>, %arg12: memref<10000xi32, #tpu.memory_space<vmem>>, %arg13: memref<10000xf32, #tpu.memory_space<vmem>>, %arg14: memref<10000xf32, #tpu.memory_space<vmem>>, %arg15: memref<80x128xf32, #tpu.memory_space<vmem>>, %arg16: memref<!tpu.dma_semaphore, #tpu.memory_space<semaphore_mem>>) attributes {dimension_semantics = [#tpu.dimension_semantics<core_parallel>, #tpu.dimension_semantics<subcore_parallel>], iteration_bounds = array<i64: 2, 16>, scalar_prefetch = 0 : i64, scratch_operands = 7 : i64, tpu.core_type = #tpu.core_type<sc_vector_subcore>, window_params = [{transform_indices = #map}, {transform_indices = #map1}, {transform_indices = #map1}, {transform_indices = #map1}, {transform_indices = #map}, {transform_indices = #map}, {transform_indices = #map}, {transform_indices = #map}]} {
    %mul3A = arith.constant 2 : i32
    %mul3A_0 = arith.muli %arg1, %mul3A : i32
    %add3A = arith.addi %mul3A_0, %arg0 : i32
    %mul3A_1 = arith.constant 10000 : i32
    %mul3A_2 = arith.muli %add3A, %mul3A_1 : i32
    "tpu.region"() ({
      %run_scoped3A = tpu.sem_alloc : memref<!tpu.dma_semaphore, #tpu.memory_space<semaphore_mem>>
      %dma_start3A = tpu.memref_slice %arg3[%mul3A_2] : memref<320000xi32, #tpu.memory_space<hbm>> -> memref<10000xi32, #tpu.memory_space<hbm>>
      %dma_start3A_41 = tpu.memref_slice %arg3[%mul3A_2] : memref<320000xi32, #tpu.memory_space<hbm>> -> memref<10000xi32, #tpu.memory_space<hbm>>
      tpu.enqueue_dma source(%dma_start3A_41 : memref<10000xi32, #tpu.memory_space<hbm>>) target(%arg10 : memref<10000xi32, #tpu.memory_space<vmem>>) target_semaphore(%run_scoped3A : memref<!tpu.dma_semaphore, #tpu.memory_space<semaphore_mem>>)
      %dma_wait3A = tpu.memref_slice %arg3[%mul3A_2] : memref<320000xi32, #tpu.memory_space<hbm>> -> memref<10000xi32, #tpu.memory_space<hbm>>
      %dma_wait3A_42 = tpu.memref_slice %arg3[%mul3A_2] : memref<320000xi32, #tpu.memory_space<hbm>> -> memref<10000xi32, #tpu.memory_space<hbm>>
      tpu.wait_dma2 semaphore(%run_scoped3A : memref<!tpu.dma_semaphore, #tpu.memory_space<semaphore_mem>>) src(%dma_wait3A_42 : memref<10000xi32, #tpu.memory_space<hbm>>) dst(%arg10 : memref<10000xi32, #tpu.memory_space<vmem>>)
      tpu.yield
    }) : () -> ()
    "tpu.region"() ({
      %run_scoped3A = tpu.sem_alloc : memref<!tpu.dma_semaphore, #tpu.memory_space<semaphore_mem>>
      %dma_start3A = tpu.memref_slice %arg4[%mul3A_2] : memref<320000xi32, #tpu.memory_space<hbm>> -> memref<10000xi32, #tpu.memory_space<hbm>>
      %dma_start3A_41 = tpu.memref_slice %arg4[%mul3A_2] : memref<320000xi32, #tpu.memory_space<hbm>> -> memref<10000xi32, #tpu.memory_space<hbm>>
      tpu.enqueue_dma source(%dma_start3A_41 : memref<10000xi32, #tpu.memory_space<hbm>>) target(%arg11 : memref<10000xi32, #tpu.memory_space<vmem>>) target_semaphore(%run_scoped3A : memref<!tpu.dma_semaphore, #tpu.memory_space<semaphore_mem>>)
      %dma_wait3A = tpu.memref_slice %arg4[%mul3A_2] : memref<320000xi32, #tpu.memory_space<hbm>> -> memref<10000xi32, #tpu.memory_space<hbm>>
      %dma_wait3A_42 = tpu.memref_slice %arg4[%mul3A_2] : memref<320000xi32, #tpu.memory_space<hbm>> -> memref<10000xi32, #tpu.memory_space<hbm>>
      tpu.wait_dma2 semaphore(%run_scoped3A : memref<!tpu.dma_semaphore, #tpu.memory_space<semaphore_mem>>) src(%dma_wait3A_42 : memref<10000xi32, #tpu.memory_space<hbm>>) dst(%arg11 : memref<10000xi32, #tpu.memory_space<vmem>>)
      tpu.yield
    }) : () -> ()
    "tpu.region"() ({
      %run_scoped3A = tpu.sem_alloc : memref<!tpu.dma_semaphore, #tpu.memory_space<semaphore_mem>>
      tpu.enqueue_dma source(%arg5 : memref<10000xf32, #tpu.memory_space<hbm>>) target(%arg13 : memref<10000xf32, #tpu.memory_space<vmem>>) target_semaphore(%run_scoped3A : memref<!tpu.dma_semaphore, #tpu.memory_space<semaphore_mem>>)
      tpu.wait_dma2 semaphore(%run_scoped3A : memref<!tpu.dma_semaphore, #tpu.memory_space<semaphore_mem>>) src(%arg5 : memref<10000xf32, #tpu.memory_space<hbm>>) dst(%arg13 : memref<10000xf32, #tpu.memory_space<vmem>>)
      tpu.yield
    }) : () -> ()
    %scan3A = arith.constant 0 : i32
    %scan3A_3 = arith.constant 0 : i32
    %scan3A_4 = arith.constant 625 : i32
    %scan3A_5 = arith.addi %scan3A_3, %scan3A_4 : i32
    %scan3A_6 = arith.constant 1 : i32
    scf.for %scan3A_41 = %scan3A_3 to %scan3A_5 step %scan3A_6  : i32 {
      %mul3A_42 = arith.constant 16 : i32
      %mul3A_43 = arith.muli %scan3A_41, %mul3A_42 : i32
      %get3A = arith.index_cast %mul3A_43 : i32 to index
      %get3A_44 = tpu.vector_load %arg10[%get3A] {strides = array<i32>} : memref<10000xi32, #tpu.memory_space<vmem>>, vector<16xi32>,
      %gather3A = tpu.vector_load_idx %arg13[%get3A_44] : memref<10000xf32, #tpu.memory_space<vmem>>[vector<16xi32>], vector<16xf32>,
      %bitcast3A = vector.bitcast %gather3A : vector<16xf32> to vector<16xi32>
      %mul3A_45 = arith.constant 16 : i32
      %mul3A_46 = arith.muli %scan3A_41, %mul3A_45 : i32
      %swap3A = arith.index_cast %mul3A_46 : i32 to index
      %swap3A_47 = tpu.vector_load %arg12[%swap3A] {strides = array<i32>} : memref<10000xi32, #tpu.memory_space<vmem>>, vector<16xi32>,
      tpu.vector_store %arg12[%swap3A], %bitcast3A {strides = array<i32>} : memref<10000xi32, #tpu.memory_space<vmem>>, vector<16xi32>,
    }
    %scan3A_7 = arith.constant 625 : i32
    %broadcast_in_dim3A = arith.constant 0.000000e+00 : f32
    %broadcast_in_dim3A_8 = vector.broadcast %broadcast_in_dim3A : f32 to vector<16xf32>
    %broadcast_in_dim3A_9 = arith.constant 1.000000e+00 : f32
    %broadcast_in_dim3A_10 = vector.broadcast %broadcast_in_dim3A_9 : f32 to vector<16xf32>
    %scan3A_11 = arith.constant 0 : i32
    %scan3A_12 = arith.constant 0 : i32
    %scan3A_13 = arith.constant 625 : i32
    %scan3A_14 = arith.addi %scan3A_12, %scan3A_13 : i32
    %scan3A_15 = arith.constant 1 : i32
    scf.for %scan3A_41 = %scan3A_12 to %scan3A_14 step %scan3A_15  : i32 {
      %mul3A_42 = arith.constant 16 : i32
      %mul3A_43 = arith.muli %scan3A_41, %mul3A_42 : i32
      %swap3A = arith.index_cast %mul3A_43 : i32 to index
      %swap3A_44 = tpu.vector_load %arg14[%swap3A] {strides = array<i32>} : memref<10000xf32, #tpu.memory_space<vmem>>, vector<16xf32>,
      tpu.vector_store %arg14[%swap3A], %broadcast_in_dim3A_8 {strides = array<i32>} : memref<10000xf32, #tpu.memory_space<vmem>>, vector<16xf32>,
    }
    %scan3A_16 = arith.constant 625 : i32
    %scan3A_17 = arith.constant 0 : i32
    %scan3A_18 = arith.constant 0 : i32
    %scan3A_19 = arith.constant 625 : i32
    %scan3A_20 = arith.addi %scan3A_18, %scan3A_19 : i32
    %scan3A_21 = arith.constant 1 : i32
    scf.for %scan3A_41 = %scan3A_18 to %scan3A_20 step %scan3A_21  : i32 {
      %mul3A_42 = arith.constant 16 : i32
      %mul3A_43 = arith.muli %scan3A_41, %mul3A_42 : i32
      %get3A = arith.index_cast %mul3A_43 : i32 to index
      %get3A_44 = tpu.vector_load %arg11[%get3A] {strides = array<i32>} : memref<10000xi32, #tpu.memory_space<vmem>>, vector<16xi32>,
      tpu.vector_store_idx %arg14[%get3A_44], %broadcast_in_dim3A_10 {add = true} : memref<10000xf32, #tpu.memory_space<vmem>>[vector<16xi32>], vector<16xf32>,
    }
    %scan3A_22 = arith.constant 625 : i32
    "tpu.region"() ({
      %run_scoped3A = tpu.sem_alloc : memref<!tpu.dma_semaphore, #tpu.memory_space<semaphore_mem>>
      %dma_start3A = arith.constant 0 : i32
      %dma_start3A_41 = tpu.memref_slice %arg9[%add3A, %dma_start3A] : memref<32x10000xf32, #tpu.memory_space<hbm>> -> memref<1x10000xf32, #tpu.memory_space<hbm>>
      %dma_start3A_42 = tpu.memref_squeeze %dma_start3A_41 : memref<1x10000xf32, #tpu.memory_space<hbm>> -> memref<10000xf32, #tpu.memory_space<hbm>>
      %dma_start3A_43 = arith.constant 0 : i32
      %dma_start3A_44 = tpu.memref_slice %arg9[%add3A, %dma_start3A_43] : memref<32x10000xf32, #tpu.memory_space<hbm>> -> memref<1x10000xf32, #tpu.memory_space<hbm>>
      %dma_start3A_45 = tpu.memref_squeeze %dma_start3A_44 : memref<1x10000xf32, #tpu.memory_space<hbm>> -> memref<10000xf32, #tpu.memory_space<hbm>>
      tpu.enqueue_dma source(%arg14 : memref<10000xf32, #tpu.memory_space<vmem>>) target(%dma_start3A_45 : memref<10000xf32, #tpu.memory_space<hbm>>) target_semaphore(%run_scoped3A : memref<!tpu.dma_semaphore, #tpu.memory_space<semaphore_mem>>)
      %dma_wait3A = arith.constant 0 : i32
      %dma_wait3A_46 = tpu.memref_slice %arg9[%add3A, %dma_wait3A] : memref<32x10000xf32, #tpu.memory_space<hbm>> -> memref<1x10000xf32, #tpu.memory_space<hbm>>
      %dma_wait3A_47 = tpu.memref_squeeze %dma_wait3A_46 : memref<1x10000xf32, #tpu.memory_space<hbm>> -> memref<10000xf32, #tpu.memory_space<hbm>>
      %dma_wait3A_48 = arith.constant 0 : i32
      %dma_wait3A_49 = tpu.memref_slice %arg9[%add3A, %dma_wait3A_48] : memref<32x10000xf32, #tpu.memory_space<hbm>> -> memref<1x10000xf32, #tpu.memory_space<hbm>>
      %dma_wait3A_50 = tpu.memref_squeeze %dma_wait3A_49 : memref<1x10000xf32, #tpu.memory_space<hbm>> -> memref<10000xf32, #tpu.memory_space<hbm>>
      tpu.wait_dma2 semaphore(%run_scoped3A : memref<!tpu.dma_semaphore, #tpu.memory_space<semaphore_mem>>) src(%arg14 : memref<10000xf32, #tpu.memory_space<vmem>>) dst(%dma_wait3A_50 : memref<10000xf32, #tpu.memory_space<hbm>>)
      tpu.yield
    }) : () -> ()
    %scan3A_23 = arith.constant 0 : i32
    %scan3A_24 = arith.constant 0 : i32
    %scan3A_25 = arith.constant 125 : i32
    %scan3A_26 = arith.addi %scan3A_24, %scan3A_25 : i32
    %scan3A_27 = arith.constant 1 : i32
    scf.for %scan3A_41 = %scan3A_24 to %scan3A_26 step %scan3A_27  : i32 {
      %mul3A_42 = arith.constant 80 : i32
      %mul3A_43 = arith.muli %scan3A_41, %mul3A_42 : i32
      %dma_start3A = tpu.memref_slice %arg10[%mul3A_43] : memref<10000xi32, #tpu.memory_space<vmem>> -> memref<80xi32, #tpu.memory_space<vmem>>
      %dma_start3A_44 = arith.constant 0 : i32
      %dma_start3A_45 = arith.constant 0 : i32
      %dma_start3A_46 = tpu.memref_slice %arg2[%dma_start3A_44, %dma_start3A_45] : memref<10000x128xf32, #tpu.memory_space<hbm>> -> memref<10000x128xf32, #tpu.memory_space<hbm>>
      tpu.enqueue_indirect_dma source(%dma_start3A_46 : memref<10000x128xf32, #tpu.memory_space<hbm>>) target(%arg15 : memref<80x128xf32, #tpu.memory_space<vmem>>) offsets(%dma_start3A : memref<80xi32, #tpu.memory_space<vmem>>) semaphore(%arg16 : memref<!tpu.dma_semaphore, #tpu.memory_space<semaphore_mem>>)
      %dma_wait3A = tpu.memref_slice %arg10[%mul3A_43] : memref<10000xi32, #tpu.memory_space<vmem>> -> memref<80xi32, #tpu.memory_space<vmem>>
      %dma_wait3A_47 = arith.constant 0 : i32
      %dma_wait3A_48 = arith.constant 0 : i32
      %dma_wait3A_49 = tpu.memref_slice %arg2[%dma_wait3A_47, %dma_wait3A_48] : memref<10000x128xf32, #tpu.memory_space<hbm>> -> memref<10000x128xf32, #tpu.memory_space<hbm>>
      tpu.wait_indirect_dma semaphore(%arg16 : memref<!tpu.dma_semaphore, #tpu.memory_space<semaphore_mem>>) src(%dma_wait3A_49 : memref<10000x128xf32, #tpu.memory_space<hbm>>) dst(%arg15 : memref<80x128xf32, #tpu.memory_space<vmem>>)
      %mul3A_50 = arith.constant 80 : i32
      %mul3A_51 = arith.muli %scan3A_41, %mul3A_50 : i32
      %add3A_52 = arith.addi %mul3A_2, %mul3A_51 : i32
      "tpu.region"() ({
        %run_scoped3A = tpu.sem_alloc : memref<!tpu.dma_semaphore, #tpu.memory_space<semaphore_mem>>
        %dma_start3A_53 = arith.constant 0 : i32
        %dma_start3A_54 = tpu.memref_slice %arg6[%add3A_52, %dma_start3A_53] : memref<320000x128xf32, #tpu.memory_space<hbm>> -> memref<80x128xf32, #tpu.memory_space<hbm>>
        %dma_start3A_55 = arith.constant 0 : i32
        %dma_start3A_56 = tpu.memref_slice %arg6[%add3A_52, %dma_start3A_55] : memref<320000x128xf32, #tpu.memory_space<hbm>> -> memref<80x128xf32, #tpu.memory_space<hbm>>
        tpu.enqueue_dma source(%arg15 : memref<80x128xf32, #tpu.memory_space<vmem>>) target(%dma_start3A_56 : memref<80x128xf32, #tpu.memory_space<hbm>>) target_semaphore(%run_scoped3A : memref<!tpu.dma_semaphore, #tpu.memory_space<semaphore_mem>>)
        %dma_wait3A_57 = arith.constant 0 : i32
        %dma_wait3A_58 = tpu.memref_slice %arg6[%add3A_52, %dma_wait3A_57] : memref<320000x128xf32, #tpu.memory_space<hbm>> -> memref<80x128xf32, #tpu.memory_space<hbm>>
        %dma_wait3A_59 = arith.constant 0 : i32
        %dma_wait3A_60 = tpu.memref_slice %arg6[%add3A_52, %dma_wait3A_59] : memref<320000x128xf32, #tpu.memory_space<hbm>> -> memref<80x128xf32, #tpu.memory_space<hbm>>
        tpu.wait_dma2 semaphore(%run_scoped3A : memref<!tpu.dma_semaphore, #tpu.memory_space<semaphore_mem>>) src(%arg15 : memref<80x128xf32, #tpu.memory_space<vmem>>) dst(%dma_wait3A_60 : memref<80x128xf32, #tpu.memory_space<hbm>>)
        tpu.yield
      }) : () -> ()
    }
    %scan3A_28 = arith.constant 125 : i32
    %scan3A_29 = arith.constant 0 : i32
    %scan3A_30 = arith.constant 0 : i32
    %scan3A_31 = arith.constant 125 : i32
    %scan3A_32 = arith.addi %scan3A_30, %scan3A_31 : i32
    %scan3A_33 = arith.constant 1 : i32
    scf.for %scan3A_41 = %scan3A_30 to %scan3A_32 step %scan3A_33  : i32 {
      %mul3A_42 = arith.constant 80 : i32
      %mul3A_43 = arith.muli %scan3A_41, %mul3A_42 : i32
      %dma_start3A = tpu.memref_slice %arg11[%mul3A_43] : memref<10000xi32, #tpu.memory_space<vmem>> -> memref<80xi32, #tpu.memory_space<vmem>>
      %dma_start3A_44 = arith.constant 0 : i32
      %dma_start3A_45 = arith.constant 0 : i32
      %dma_start3A_46 = tpu.memref_slice %arg2[%dma_start3A_44, %dma_start3A_45] : memref<10000x128xf32, #tpu.memory_space<hbm>> -> memref<10000x128xf32, #tpu.memory_space<hbm>>
      tpu.enqueue_indirect_dma source(%dma_start3A_46 : memref<10000x128xf32, #tpu.memory_space<hbm>>) target(%arg15 : memref<80x128xf32, #tpu.memory_space<vmem>>) offsets(%dma_start3A : memref<80xi32, #tpu.memory_space<vmem>>) semaphore(%arg16 : memref<!tpu.dma_semaphore, #tpu.memory_space<semaphore_mem>>)
      %dma_wait3A = tpu.memref_slice %arg11[%mul3A_43] : memref<10000xi32, #tpu.memory_space<vmem>> -> memref<80xi32, #tpu.memory_space<vmem>>
      %dma_wait3A_47 = arith.constant 0 : i32
      %dma_wait3A_48 = arith.constant 0 : i32
      %dma_wait3A_49 = tpu.memref_slice %arg2[%dma_wait3A_47, %dma_wait3A_48] : memref<10000x128xf32, #tpu.memory_space<hbm>> -> memref<10000x128xf32, #tpu.memory_space<hbm>>
      tpu.wait_indirect_dma semaphore(%arg16 : memref<!tpu.dma_semaphore, #tpu.memory_space<semaphore_mem>>) src(%dma_wait3A_49 : memref<10000x128xf32, #tpu.memory_space<hbm>>) dst(%arg15 : memref<80x128xf32, #tpu.memory_space<vmem>>)
      %mul3A_50 = arith.constant 80 : i32
      %mul3A_51 = arith.muli %scan3A_41, %mul3A_50 : i32
      %add3A_52 = arith.addi %mul3A_2, %mul3A_51 : i32
      "tpu.region"() ({
        %run_scoped3A = tpu.sem_alloc : memref<!tpu.dma_semaphore, #tpu.memory_space<semaphore_mem>>
        %dma_start3A_53 = arith.constant 0 : i32
        %dma_start3A_54 = tpu.memref_slice %arg7[%add3A_52, %dma_start3A_53] : memref<320000x128xf32, #tpu.memory_space<hbm>> -> memref<80x128xf32, #tpu.memory_space<hbm>>
        %dma_start3A_55 = arith.constant 0 : i32
        %dma_start3A_56 = tpu.memref_slice %arg7[%add3A_52, %dma_start3A_55] : memref<320000x128xf32, #tpu.memory_space<hbm>> -> memref<80x128xf32, #tpu.memory_space<hbm>>
        tpu.enqueue_dma source(%arg15 : memref<80x128xf32, #tpu.memory_space<vmem>>) target(%dma_start3A_56 : memref<80x128xf32, #tpu.memory_space<hbm>>) target_semaphore(%run_scoped3A : memref<!tpu.dma_semaphore, #tpu.memory_space<semaphore_mem>>)
        %dma_wait3A_57 = arith.constant 0 : i32
        %dma_wait3A_58 = tpu.memref_slice %arg7[%add3A_52, %dma_wait3A_57] : memref<320000x128xf32, #tpu.memory_space<hbm>> -> memref<80x128xf32, #tpu.memory_space<hbm>>
        %dma_wait3A_59 = arith.constant 0 : i32
        %dma_wait3A_60 = tpu.memref_slice %arg7[%add3A_52, %dma_wait3A_59] : memref<320000x128xf32, #tpu.memory_space<hbm>> -> memref<80x128xf32, #tpu.memory_space<hbm>>
        tpu.wait_dma2 semaphore(%run_scoped3A : memref<!tpu.dma_semaphore, #tpu.memory_space<semaphore_mem>>) src(%arg15 : memref<80x128xf32, #tpu.memory_space<vmem>>) dst(%dma_wait3A_60 : memref<80x128xf32, #tpu.memory_space<hbm>>)
        tpu.yield
      }) : () -> ()
    }
    %scan3A_34 = arith.constant 125 : i32
    %scan3A_35 = arith.constant 0 : i32
    %scan3A_36 = arith.constant 0 : i32
    %scan3A_37 = arith.constant 125 : i32
    %scan3A_38 = arith.addi %scan3A_36, %scan3A_37 : i32
    %scan3A_39 = arith.constant 1 : i32
    scf.for %scan3A_41 = %scan3A_36 to %scan3A_38 step %scan3A_39  : i32 {
      %mul3A_42 = arith.constant 80 : i32
      %mul3A_43 = arith.muli %scan3A_41, %mul3A_42 : i32
      %dma_start3A = tpu.memref_slice %arg12[%mul3A_43] : memref<10000xi32, #tpu.memory_space<vmem>> -> memref<80xi32, #tpu.memory_space<vmem>>
      %dma_start3A_44 = arith.constant 0 : i32
      %dma_start3A_45 = arith.constant 0 : i32
      %dma_start3A_46 = tpu.memref_slice %arg2[%dma_start3A_44, %dma_start3A_45] : memref<10000x128xf32, #tpu.memory_space<hbm>> -> memref<10000x128xf32, #tpu.memory_space<hbm>>
      tpu.enqueue_indirect_dma source(%dma_start3A_46 : memref<10000x128xf32, #tpu.memory_space<hbm>>) target(%arg15 : memref<80x128xf32, #tpu.memory_space<vmem>>) offsets(%dma_start3A : memref<80xi32, #tpu.memory_space<vmem>>) semaphore(%arg16 : memref<!tpu.dma_semaphore, #tpu.memory_space<semaphore_mem>>)
      %dma_wait3A = tpu.memref_slice %arg12[%mul3A_43] : memref<10000xi32, #tpu.memory_space<vmem>> -> memref<80xi32, #tpu.memory_space<vmem>>
      %dma_wait3A_47 = arith.constant 0 : i32
      %dma_wait3A_48 = arith.constant 0 : i32
      %dma_wait3A_49 = tpu.memref_slice %arg2[%dma_wait3A_47, %dma_wait3A_48] : memref<10000x128xf32, #tpu.memory_space<hbm>> -> memref<10000x128xf32, #tpu.memory_space<hbm>>
      tpu.wait_indirect_dma semaphore(%arg16 : memref<!tpu.dma_semaphore, #tpu.memory_space<semaphore_mem>>) src(%dma_wait3A_49 : memref<10000x128xf32, #tpu.memory_space<hbm>>) dst(%arg15 : memref<80x128xf32, #tpu.memory_space<vmem>>)
      %mul3A_50 = arith.constant 80 : i32
      %mul3A_51 = arith.muli %scan3A_41, %mul3A_50 : i32
      %add3A_52 = arith.addi %mul3A_2, %mul3A_51 : i32
      "tpu.region"() ({
        %run_scoped3A = tpu.sem_alloc : memref<!tpu.dma_semaphore, #tpu.memory_space<semaphore_mem>>
        %dma_start3A_53 = arith.constant 0 : i32
        %dma_start3A_54 = tpu.memref_slice %arg8[%add3A_52, %dma_start3A_53] : memref<320000x128xf32, #tpu.memory_space<hbm>> -> memref<80x128xf32, #tpu.memory_space<hbm>>
        %dma_start3A_55 = arith.constant 0 : i32
        %dma_start3A_56 = tpu.memref_slice %arg8[%add3A_52, %dma_start3A_55] : memref<320000x128xf32, #tpu.memory_space<hbm>> -> memref<80x128xf32, #tpu.memory_space<hbm>>
        tpu.enqueue_dma source(%arg15 : memref<80x128xf32, #tpu.memory_space<vmem>>) target(%dma_start3A_56 : memref<80x128xf32, #tpu.memory_space<hbm>>) target_semaphore(%run_scoped3A : memref<!tpu.dma_semaphore, #tpu.memory_space<semaphore_mem>>)
        %dma_wait3A_57 = arith.constant 0 : i32
        %dma_wait3A_58 = tpu.memref_slice %arg8[%add3A_52, %dma_wait3A_57] : memref<320000x128xf32, #tpu.memory_space<hbm>> -> memref<80x128xf32, #tpu.memory_space<hbm>>
        %dma_wait3A_59 = arith.constant 0 : i32
        %dma_wait3A_60 = tpu.memref_slice %arg8[%add3A_52, %dma_wait3A_59] : memref<320000x128xf32, #tpu.memory_space<hbm>> -> memref<80x128xf32, #tpu.memory_space<hbm>>
        tpu.wait_dma2 semaphore(%run_scoped3A : memref<!tpu.dma_semaphore, #tpu.memory_space<semaphore_mem>>) src(%arg15 : memref<80x128xf32, #tpu.memory_space<vmem>>) dst(%dma_wait3A_60 : memref<80x128xf32, #tpu.memory_space<hbm>>)
        tpu.yield
      }) : () -> ()
    }
    %scan3A_40 = arith.constant 125 : i32
    return
  }
}

#map = affine_map<(d0, d1) -> (0)>
module attributes {stable_mosaic.version = 14 : i64} {
  func.func @_k3_body(%arg0: i32, %arg1: i32, %arg2: memref<10000xf32, #tpu.memory_space<hbm>>, %arg3: memref<320000xi32, #tpu.memory_space<hbm>>, %arg4: memref<320000xf32, #tpu.memory_space<hbm>>, %arg5: memref<10000xf32, #tpu.memory_space<vmem>>, %arg6: memref<10000xi32, #tpu.memory_space<vmem>>, %arg7: memref<10000xf32, #tpu.memory_space<vmem>>) attributes {dimension_semantics = [#tpu.dimension_semantics<core_parallel>, #tpu.dimension_semantics<subcore_parallel>], iteration_bounds = array<i64: 2, 16>, scalar_prefetch = 0 : i64, scratch_operands = 3 : i64, tpu.core_type = #tpu.core_type<sc_vector_subcore>, window_params = [{transform_indices = #map}, {transform_indices = #map}, {transform_indices = #map}]} {
    %mul3A = arith.constant 2 : i32
    %mul3A_0 = arith.muli %arg1, %mul3A : i32
    %add3A = arith.addi %mul3A_0, %arg0 : i32
    %mul3A_1 = arith.constant 10000 : i32
    %mul3A_2 = arith.muli %add3A, %mul3A_1 : i32
    "tpu.region"() ({
      %run_scoped3A = tpu.sem_alloc : memref<!tpu.dma_semaphore, #tpu.memory_space<semaphore_mem>>
      tpu.enqueue_dma source(%arg2 : memref<10000xf32, #tpu.memory_space<hbm>>) target(%arg5 : memref<10000xf32, #tpu.memory_space<vmem>>) target_semaphore(%run_scoped3A : memref<!tpu.dma_semaphore, #tpu.memory_space<semaphore_mem>>)
      tpu.wait_dma2 semaphore(%run_scoped3A : memref<!tpu.dma_semaphore, #tpu.memory_space<semaphore_mem>>) src(%arg2 : memref<10000xf32, #tpu.memory_space<hbm>>) dst(%arg5 : memref<10000xf32, #tpu.memory_space<vmem>>)
      tpu.yield
    }) : () -> ()
    "tpu.region"() ({
      %run_scoped3A = tpu.sem_alloc : memref<!tpu.dma_semaphore, #tpu.memory_space<semaphore_mem>>
      %dma_start3A = tpu.memref_slice %arg3[%mul3A_2] : memref<320000xi32, #tpu.memory_space<hbm>> -> memref<10000xi32, #tpu.memory_space<hbm>>
      %dma_start3A_8 = tpu.memref_slice %arg3[%mul3A_2] : memref<320000xi32, #tpu.memory_space<hbm>> -> memref<10000xi32, #tpu.memory_space<hbm>>
      tpu.enqueue_dma source(%dma_start3A_8 : memref<10000xi32, #tpu.memory_space<hbm>>) target(%arg6 : memref<10000xi32, #tpu.memory_space<vmem>>) target_semaphore(%run_scoped3A : memref<!tpu.dma_semaphore, #tpu.memory_space<semaphore_mem>>)
      %dma_wait3A = tpu.memref_slice %arg3[%mul3A_2] : memref<320000xi32, #tpu.memory_space<hbm>> -> memref<10000xi32, #tpu.memory_space<hbm>>
      %dma_wait3A_9 = tpu.memref_slice %arg3[%mul3A_2] : memref<320000xi32, #tpu.memory_space<hbm>> -> memref<10000xi32, #tpu.memory_space<hbm>>
      tpu.wait_dma2 semaphore(%run_scoped3A : memref<!tpu.dma_semaphore, #tpu.memory_space<semaphore_mem>>) src(%dma_wait3A_9 : memref<10000xi32, #tpu.memory_space<hbm>>) dst(%arg6 : memref<10000xi32, #tpu.memory_space<vmem>>)
      tpu.yield
    }) : () -> ()
    %scan3A = arith.constant 0 : i32
    %scan3A_3 = arith.constant 0 : i32
    %scan3A_4 = arith.constant 625 : i32
    %scan3A_5 = arith.addi %scan3A_3, %scan3A_4 : i32
    %scan3A_6 = arith.constant 1 : i32
    scf.for %scan3A_8 = %scan3A_3 to %scan3A_5 step %scan3A_6  : i32 {
      %mul3A_9 = arith.constant 16 : i32
      %mul3A_10 = arith.muli %scan3A_8, %mul3A_9 : i32
      %get3A = arith.index_cast %mul3A_10 : i32 to index
      %get3A_11 = tpu.vector_load %arg6[%get3A] {strides = array<i32>} : memref<10000xi32, #tpu.memory_space<vmem>>, vector<16xi32>,
      %gather3A = tpu.vector_load_idx %arg5[%get3A_11] : memref<10000xf32, #tpu.memory_space<vmem>>[vector<16xi32>], vector<16xf32>,
      %mul3A_12 = arith.constant 16 : i32
      %mul3A_13 = arith.muli %scan3A_8, %mul3A_12 : i32
      %swap3A = arith.index_cast %mul3A_13 : i32 to index
      %swap3A_14 = tpu.vector_load %arg7[%swap3A] {strides = array<i32>} : memref<10000xf32, #tpu.memory_space<vmem>>, vector<16xf32>,
      tpu.vector_store %arg7[%swap3A], %gather3A {strides = array<i32>} : memref<10000xf32, #tpu.memory_space<vmem>>, vector<16xf32>,
    }
    %scan3A_7 = arith.constant 625 : i32
    "tpu.region"() ({
      %run_scoped3A = tpu.sem_alloc : memref<!tpu.dma_semaphore, #tpu.memory_space<semaphore_mem>>
      %dma_start3A = tpu.memref_slice %arg4[%mul3A_2] : memref<320000xf32, #tpu.memory_space<hbm>> -> memref<10000xf32, #tpu.memory_space<hbm>>
      %dma_start3A_8 = tpu.memref_slice %arg4[%mul3A_2] : memref<320000xf32, #tpu.memory_space<hbm>> -> memref<10000xf32, #tpu.memory_space<hbm>>
      tpu.enqueue_dma source(%arg7 : memref<10000xf32, #tpu.memory_space<vmem>>) target(%dma_start3A_8 : memref<10000xf32, #tpu.memory_space<hbm>>) target_semaphore(%run_scoped3A : memref<!tpu.dma_semaphore, #tpu.memory_space<semaphore_mem>>)
      %dma_wait3A = tpu.memref_slice %arg4[%mul3A_2] : memref<320000xf32, #tpu.memory_space<hbm>> -> memref<10000xf32, #tpu.memory_space<hbm>>
      %dma_wait3A_9 = tpu.memref_slice %arg4[%mul3A_2] : memref<320000xf32, #tpu.memory_space<hbm>> -> memref<10000xf32, #tpu.memory_space<hbm>>
      tpu.wait_dma2 semaphore(%run_scoped3A : memref<!tpu.dma_semaphore, #tpu.memory_space<semaphore_mem>>) src(%arg7 : memref<10000xf32, #tpu.memory_space<vmem>>) dst(%dma_wait3A_9 : memref<10000xf32, #tpu.memory_space<hbm>>)
      tpu.yield
    }) : () -> ()
    return
  }
}

#map = affine_map<(d0, d1) -> (0, 0)>
#map1 = affine_map<(d0, d1) -> (0, 0, 0)>
module attributes {stable_mosaic.version = 14 : i64} {
  func.func @_k5_body(%arg0: i32, %arg1: i32, %arg2: memref<320000x128xf32, #tpu.memory_space<hbm>>, %arg3: memref<320000x32xf32, #tpu.memory_space<hbm>>, %arg4: memref<32x250x40xi32, #tpu.memory_space<hbm>>, %arg5: memref<10000x128xf32, #tpu.memory_space<hbm>>, %arg6: memref<10000x32xf32, #tpu.memory_space<hbm>>, %arg7: memref<2x10000x128xf32, #tpu.memory_space<hbm>>, %arg8: memref<2x10000x32xf32, #tpu.memory_space<hbm>>, %arg9: memref<250x40xi32, #tpu.memory_space<vmem>>, %arg10: memref<40x128xf32, #tpu.memory_space<vmem>>, %arg11: memref<40x32xf32, #tpu.memory_space<vmem>>, %arg12: memref<10000x128xf32, #tpu.memory_space<vmem_shared>>, %arg13: memref<10000x32xf32, #tpu.memory_space<vmem_shared>>) attributes {dimension_semantics = [#tpu.dimension_semantics<core_parallel>, #tpu.dimension_semantics<subcore_parallel>], iteration_bounds = array<i64: 2, 16>, scalar_prefetch = 0 : i64, scratch_operands = 5 : i64, tpu.core_type = #tpu.core_type<sc_vector_subcore>, window_params = [{transform_indices = #map}, {transform_indices = #map}, {transform_indices = #map1}, {transform_indices = #map}, {transform_indices = #map}, {transform_indices = #map1}, {transform_indices = #map1}]} {
    %mul3A = arith.constant 2 : i32
    %mul3A_0 = arith.muli %arg1, %mul3A : i32
    %add3A = arith.addi %mul3A_0, %arg0 : i32
    %mul3A_1 = arith.constant 10000 : i32
    %mul3A_2 = arith.muli %add3A, %mul3A_1 : i32
    %mul3A_3 = arith.constant 625 : i32
    %mul3A_4 = arith.muli %arg1, %mul3A_3 : i32
    %mul3A_5 = arith.constant 625 : i32
    %mul3A_6 = arith.muli %arg1, %mul3A_5 : i32
    "tpu.region"() ({
      %run_scoped3A = tpu.sem_alloc : memref<!tpu.dma_semaphore, #tpu.memory_space<semaphore_mem>>
      %dma_start3A = arith.constant 0 : i32
      %dma_start3A_25 = tpu.memref_slice %arg12[%mul3A_6, %dma_start3A] : memref<10000x128xf32, #tpu.memory_space<vmem_shared>> -> memref<625x128xf32, #tpu.memory_space<vmem_shared>>
      %dma_start3A_26 = arith.constant 0 : i32
      %dma_start3A_27 = tpu.memref_slice %arg5[%mul3A_4, %dma_start3A_26] : memref<10000x128xf32, #tpu.memory_space<hbm>> -> memref<625x128xf32, #tpu.memory_space<hbm>>
      tpu.enqueue_dma source(%dma_start3A_27 : memref<625x128xf32, #tpu.memory_space<hbm>>) target(%dma_start3A_25 : memref<625x128xf32, #tpu.memory_space<vmem_shared>>) target_semaphore(%run_scoped3A : memref<!tpu.dma_semaphore, #tpu.memory_space<semaphore_mem>>)
      %dma_wait3A = arith.constant 0 : i32
      %dma_wait3A_28 = tpu.memref_slice %arg12[%mul3A_6, %dma_wait3A] : memref<10000x128xf32, #tpu.memory_space<vmem_shared>> -> memref<625x128xf32, #tpu.memory_space<vmem_shared>>
      %dma_wait3A_29 = arith.constant 0 : i32
      %dma_wait3A_30 = tpu.memref_slice %arg5[%mul3A_4, %dma_wait3A_29] : memref<10000x128xf32, #tpu.memory_space<hbm>> -> memref<625x128xf32, #tpu.memory_space<hbm>>
      tpu.wait_dma2 semaphore(%run_scoped3A : memref<!tpu.dma_semaphore, #tpu.memory_space<semaphore_mem>>) src(%dma_wait3A_30 : memref<625x128xf32, #tpu.memory_space<hbm>>) dst(%dma_wait3A_28 : memref<625x128xf32, #tpu.memory_space<vmem_shared>>)
      tpu.yield
    }) : () -> ()
    %mul3A_7 = arith.constant 625 : i32
    %mul3A_8 = arith.muli %arg1, %mul3A_7 : i32
    %mul3A_9 = arith.constant 625 : i32
    %mul3A_10 = arith.muli %arg1, %mul3A_9 : i32
    "tpu.region"() ({
      %run_scoped3A = tpu.sem_alloc : memref<!tpu.dma_semaphore, #tpu.memory_space<semaphore_mem>>
      %dma_start3A = arith.constant 0 : i32
      %dma_start3A_25 = tpu.memref_slice %arg13[%mul3A_10, %dma_start3A] : memref<10000x32xf32, #tpu.memory_space<vmem_shared>> -> memref<625x32xf32, #tpu.memory_space<vmem_shared>>
      %dma_start3A_26 = arith.constant 0 : i32
      %dma_start3A_27 = tpu.memref_slice %arg6[%mul3A_8, %dma_start3A_26] : memref<10000x32xf32, #tpu.memory_space<hbm>> -> memref<625x32xf32, #tpu.memory_space<hbm>>
      tpu.enqueue_dma source(%dma_start3A_27 : memref<625x32xf32, #tpu.memory_space<hbm>>) target(%dma_start3A_25 : memref<625x32xf32, #tpu.memory_space<vmem_shared>>) target_semaphore(%run_scoped3A : memref<!tpu.dma_semaphore, #tpu.memory_space<semaphore_mem>>)
      %dma_wait3A = arith.constant 0 : i32
      %dma_wait3A_28 = tpu.memref_slice %arg13[%mul3A_10, %dma_wait3A] : memref<10000x32xf32, #tpu.memory_space<vmem_shared>> -> memref<625x32xf32, #tpu.memory_space<vmem_shared>>
      %dma_wait3A_29 = arith.constant 0 : i32
      %dma_wait3A_30 = tpu.memref_slice %arg6[%mul3A_8, %dma_wait3A_29] : memref<10000x32xf32, #tpu.memory_space<hbm>> -> memref<625x32xf32, #tpu.memory_space<hbm>>
      tpu.wait_dma2 semaphore(%run_scoped3A : memref<!tpu.dma_semaphore, #tpu.memory_space<semaphore_mem>>) src(%dma_wait3A_30 : memref<625x32xf32, #tpu.memory_space<hbm>>) dst(%dma_wait3A_28 : memref<625x32xf32, #tpu.memory_space<vmem_shared>>)
      tpu.yield
    }) : () -> ()
    "tpu.region"() ({
      %run_scoped3A = tpu.sem_alloc : memref<!tpu.dma_semaphore, #tpu.memory_space<semaphore_mem>>
      %dma_start3A = arith.constant 0 : i32
      %dma_start3A_25 = arith.constant 0 : i32
      %dma_start3A_26 = tpu.memref_slice %arg4[%add3A, %dma_start3A, %dma_start3A_25] : memref<32x250x40xi32, #tpu.memory_space<hbm>> -> memref<1x250x40xi32, #tpu.memory_space<hbm>>
      %dma_start3A_27 = tpu.memref_squeeze %dma_start3A_26 : memref<1x250x40xi32, #tpu.memory_space<hbm>> -> memref<250x40xi32, #tpu.memory_space<hbm>>
      %dma_start3A_28 = arith.constant 0 : i32
      %dma_start3A_29 = arith.constant 0 : i32
      %dma_start3A_30 = tpu.memref_slice %arg4[%add3A, %dma_start3A_28, %dma_start3A_29] : memref<32x250x40xi32, #tpu.memory_space<hbm>> -> memref<1x250x40xi32, #tpu.memory_space<hbm>>
      %dma_start3A_31 = tpu.memref_squeeze %dma_start3A_30 : memref<1x250x40xi32, #tpu.memory_space<hbm>> -> memref<250x40xi32, #tpu.memory_space<hbm>>
      tpu.enqueue_dma source(%dma_start3A_31 : memref<250x40xi32, #tpu.memory_space<hbm>>) target(%arg9 : memref<250x40xi32, #tpu.memory_space<vmem>>) target_semaphore(%run_scoped3A : memref<!tpu.dma_semaphore, #tpu.memory_space<semaphore_mem>>)
      %dma_wait3A = arith.constant 0 : i32
      %dma_wait3A_32 = arith.constant 0 : i32
      %dma_wait3A_33 = tpu.memref_slice %arg4[%add3A, %dma_wait3A, %dma_wait3A_32] : memref<32x250x40xi32, #tpu.memory_space<hbm>> -> memref<1x250x40xi32, #tpu.memory_space<hbm>>
      %dma_wait3A_34 = tpu.memref_squeeze %dma_wait3A_33 : memref<1x250x40xi32, #tpu.memory_space<hbm>> -> memref<250x40xi32, #tpu.memory_space<hbm>>
      %dma_wait3A_35 = arith.constant 0 : i32
      %dma_wait3A_36 = arith.constant 0 : i32
      %dma_wait3A_37 = tpu.memref_slice %arg4[%add3A, %dma_wait3A_35, %dma_wait3A_36] : memref<32x250x40xi32, #tpu.memory_space<hbm>> -> memref<1x250x40xi32, #tpu.memory_space<hbm>>
      %dma_wait3A_38 = tpu.memref_squeeze %dma_wait3A_37 : memref<1x250x40xi32, #tpu.memory_space<hbm>> -> memref<250x40xi32, #tpu.memory_space<hbm>>
      tpu.wait_dma2 semaphore(%run_scoped3A : memref<!tpu.dma_semaphore, #tpu.memory_space<semaphore_mem>>) src(%dma_wait3A_38 : memref<250x40xi32, #tpu.memory_space<hbm>>) dst(%arg9 : memref<250x40xi32, #tpu.memory_space<vmem>>)
      tpu.yield
    }) : () -> ()
    %barrier3A = arith.constant 0 : index
    tpu.barrier barrier_id(%barrier3A)
    %scan3A = arith.constant 0 : i32
    %scan3A_11 = arith.constant 0 : i32
    %scan3A_12 = arith.constant 250 : i32
    %scan3A_13 = arith.addi %scan3A_11, %scan3A_12 : i32
    %scan3A_14 = arith.constant 1 : i32
    scf.for %scan3A_25 = %scan3A_11 to %scan3A_13 step %scan3A_14  : i32 {
      %mul3A_26 = arith.constant 40 : i32
      %mul3A_27 = arith.muli %scan3A_25, %mul3A_26 : i32
      %add3A_28 = arith.addi %mul3A_2, %mul3A_27 : i32
      "tpu.region"() ({
        %run_scoped3A = tpu.sem_alloc : memref<!tpu.dma_semaphore, #tpu.memory_space<semaphore_mem>>
        %dma_start3A = arith.constant 0 : i32
        %dma_start3A_32 = tpu.memref_slice %arg2[%add3A_28, %dma_start3A] : memref<320000x128xf32, #tpu.memory_space<hbm>> -> memref<40x128xf32, #tpu.memory_space<hbm>>
        %dma_start3A_33 = arith.constant 0 : i32
        %dma_start3A_34 = tpu.memref_slice %arg2[%add3A_28, %dma_start3A_33] : memref<320000x128xf32, #tpu.memory_space<hbm>> -> memref<40x128xf32, #tpu.memory_space<hbm>>
        tpu.enqueue_dma source(%dma_start3A_34 : memref<40x128xf32, #tpu.memory_space<hbm>>) target(%arg10 : memref<40x128xf32, #tpu.memory_space<vmem>>) target_semaphore(%run_scoped3A : memref<!tpu.dma_semaphore, #tpu.memory_space<semaphore_mem>>)
        %dma_wait3A = arith.constant 0 : i32
        %dma_wait3A_35 = tpu.memref_slice %arg2[%add3A_28, %dma_wait3A] : memref<320000x128xf32, #tpu.memory_space<hbm>> -> memref<40x128xf32, #tpu.memory_space<hbm>>
        %dma_wait3A_36 = arith.constant 0 : i32
        %dma_wait3A_37 = tpu.memref_slice %arg2[%add3A_28, %dma_wait3A_36] : memref<320000x128xf32, #tpu.memory_space<hbm>> -> memref<40x128xf32, #tpu.memory_space<hbm>>
        tpu.wait_dma2 semaphore(%run_scoped3A : memref<!tpu.dma_semaphore, #tpu.memory_space<semaphore_mem>>) src(%dma_wait3A_37 : memref<40x128xf32, #tpu.memory_space<hbm>>) dst(%arg10 : memref<40x128xf32, #tpu.memory_space<vmem>>)
        tpu.yield
      }) : () -> ()
      %mul3A_29 = arith.constant 40 : i32
      %mul3A_30 = arith.muli %scan3A_25, %mul3A_29 : i32
      %add3A_31 = arith.addi %mul3A_2, %mul3A_30 : i32
      "tpu.region"() ({
        %run_scoped3A = tpu.sem_alloc : memref<!tpu.dma_semaphore, #tpu.memory_space<semaphore_mem>>
        %dma_start3A = arith.constant 0 : i32
        %dma_start3A_32 = tpu.memref_slice %arg3[%add3A_31, %dma_start3A] : memref<320000x32xf32, #tpu.memory_space<hbm>> -> memref<40x32xf32, #tpu.memory_space<hbm>>
        %dma_start3A_33 = arith.constant 0 : i32
        %dma_start3A_34 = tpu.memref_slice %arg3[%add3A_31, %dma_start3A_33] : memref<320000x32xf32, #tpu.memory_space<hbm>> -> memref<40x32xf32, #tpu.memory_space<hbm>>
        tpu.enqueue_dma source(%dma_start3A_34 : memref<40x32xf32, #tpu.memory_space<hbm>>) target(%arg11 : memref<40x32xf32, #tpu.memory_space<vmem>>) target_semaphore(%run_scoped3A : memref<!tpu.dma_semaphore, #tpu.memory_space<semaphore_mem>>)
        %dma_wait3A = arith.constant 0 : i32
        %dma_wait3A_35 = tpu.memref_slice %arg3[%add3A_31, %dma_wait3A] : memref<320000x32xf32, #tpu.memory_space<hbm>> -> memref<40x32xf32, #tpu.memory_space<hbm>>
        %dma_wait3A_36 = arith.constant 0 : i32
        %dma_wait3A_37 = tpu.memref_slice %arg3[%add3A_31, %dma_wait3A_36] : memref<320000x32xf32, #tpu.memory_space<hbm>> -> memref<40x32xf32, #tpu.memory_space<hbm>>
        tpu.wait_dma2 semaphore(%run_scoped3A : memref<!tpu.dma_semaphore, #tpu.memory_space<semaphore_mem>>) src(%dma_wait3A_37 : memref<40x32xf32, #tpu.memory_space<hbm>>) dst(%arg11 : memref<40x32xf32, #tpu.memory_space<vmem>>)
        tpu.yield
      }) : () -> ()
      "tpu.region"() ({
        %run_scoped3A = tpu.sem_alloc : memref<!tpu.dma_semaphore, #tpu.memory_space<semaphore_mem>>
        %dma_start3A = arith.constant 0 : i32
        %dma_start3A_32 = tpu.memref_slice %arg9[%scan3A_25, %dma_start3A] : memref<250x40xi32, #tpu.memory_space<vmem>> -> memref<1x40xi32, #tpu.memory_space<vmem>>
        %dma_start3A_33 = tpu.memref_squeeze %dma_start3A_32 : memref<1x40xi32, #tpu.memory_space<vmem>> -> memref<40xi32, #tpu.memory_space<vmem>>
        %dma_start3A_34 = arith.constant 0 : i32
        %dma_start3A_35 = arith.constant 0 : i32
        %dma_start3A_36 = tpu.memref_slice %arg12[%dma_start3A_34, %dma_start3A_35] : memref<10000x128xf32, #tpu.memory_space<vmem_shared>> -> memref<10000x128xf32, #tpu.memory_space<vmem_shared>>
        tpu.enqueue_indirect_dma source(%arg10 : memref<40x128xf32, #tpu.memory_space<vmem>>) target(%dma_start3A_36 : memref<10000x128xf32, #tpu.memory_space<vmem_shared>>) offsets(%dma_start3A_33 : memref<40xi32, #tpu.memory_space<vmem>>) semaphore(%run_scoped3A : memref<!tpu.dma_semaphore, #tpu.memory_space<semaphore_mem>>) {add = true}
        %dma_wait3A = arith.constant 0 : i32
        %dma_wait3A_37 = tpu.memref_slice %arg9[%scan3A_25, %dma_wait3A] : memref<250x40xi32, #tpu.memory_space<vmem>> -> memref<1x40xi32, #tpu.memory_space<vmem>>
        %dma_wait3A_38 = tpu.memref_squeeze %dma_wait3A_37 : memref<1x40xi32, #tpu.memory_space<vmem>> -> memref<40xi32, #tpu.memory_space<vmem>>
        %dma_wait3A_39 = arith.constant 0 : i32
        %dma_wait3A_40 = arith.constant 0 : i32
        %dma_wait3A_41 = tpu.memref_slice %arg12[%dma_wait3A_39, %dma_wait3A_40] : memref<10000x128xf32, #tpu.memory_space<vmem_shared>> -> memref<10000x128xf32, #tpu.memory_space<vmem_shared>>
        tpu.wait_indirect_dma semaphore(%run_scoped3A : memref<!tpu.dma_semaphore, #tpu.memory_space<semaphore_mem>>) src(%arg10 : memref<40x128xf32, #tpu.memory_space<vmem>>) dst(%dma_wait3A_41 : memref<10000x128xf32, #tpu.memory_space<vmem_shared>>)
        tpu.yield
      }) : () -> ()
      "tpu.region"() ({
        %run_scoped3A = tpu.sem_alloc : memref<!tpu.dma_semaphore, #tpu.memory_space<semaphore_mem>>
        %dma_start3A = arith.constant 0 : i32
        %dma_start3A_32 = tpu.memref_slice %arg9[%scan3A_25, %dma_start3A] : memref<250x40xi32, #tpu.memory_space<vmem>> -> memref<1x40xi32, #tpu.memory_space<vmem>>
        %dma_start3A_33 = tpu.memref_squeeze %dma_start3A_32 : memref<1x40xi32, #tpu.memory_space<vmem>> -> memref<40xi32, #tpu.memory_space<vmem>>
        %dma_start3A_34 = arith.constant 0 : i32
        %dma_start3A_35 = arith.constant 0 : i32
        %dma_start3A_36 = tpu.memref_slice %arg13[%dma_start3A_34, %dma_start3A_35] : memref<10000x32xf32, #tpu.memory_space<vmem_shared>> -> memref<10000x32xf32, #tpu.memory_space<vmem_shared>>
        tpu.enqueue_indirect_dma source(%arg11 : memref<40x32xf32, #tpu.memory_space<vmem>>) target(%dma_start3A_36 : memref<10000x32xf32, #tpu.memory_space<vmem_shared>>) offsets(%dma_start3A_33 : memref<40xi32, #tpu.memory_space<vmem>>) semaphore(%run_scoped3A : memref<!tpu.dma_semaphore, #tpu.memory_space<semaphore_mem>>) {add = true}
        %dma_wait3A = arith.constant 0 : i32
        %dma_wait3A_37 = tpu.memref_slice %arg9[%scan3A_25, %dma_wait3A] : memref<250x40xi32, #tpu.memory_space<vmem>> -> memref<1x40xi32, #tpu.memory_space<vmem>>
        %dma_wait3A_38 = tpu.memref_squeeze %dma_wait3A_37 : memref<1x40xi32, #tpu.memory_space<vmem>> -> memref<40xi32, #tpu.memory_space<vmem>>
        %dma_wait3A_39 = arith.constant 0 : i32
        %dma_wait3A_40 = arith.constant 0 : i32
        %dma_wait3A_41 = tpu.memref_slice %arg13[%dma_wait3A_39, %dma_wait3A_40] : memref<10000x32xf32, #tpu.memory_space<vmem_shared>> -> memref<10000x32xf32, #tpu.memory_space<vmem_shared>>
        tpu.wait_indirect_dma semaphore(%run_scoped3A : memref<!tpu.dma_semaphore, #tpu.memory_space<semaphore_mem>>) src(%arg11 : memref<40x32xf32, #tpu.memory_space<vmem>>) dst(%dma_wait3A_41 : memref<10000x32xf32, #tpu.memory_space<vmem_shared>>)
        tpu.yield
      }) : () -> ()
    }
    %scan3A_15 = arith.constant 250 : i32
    %barrier3A_16 = arith.constant 0 : index
    tpu.barrier barrier_id(%barrier3A_16)
    %mul3A_17 = arith.constant 625 : i32
    %mul3A_18 = arith.muli %arg1, %mul3A_17 : i32
    %mul3A_19 = arith.constant 625 : i32
    %mul3A_20 = arith.muli %arg1, %mul3A_19 : i32
    "tpu.region"() ({
      %run_scoped3A = tpu.sem_alloc : memref<!tpu.dma_semaphore, #tpu.memory_space<semaphore_mem>>
      %dma_start3A = arith.constant 0 : i32
      %dma_start3A_25 = tpu.memref_slice %arg7[%arg0, %mul3A_20, %dma_start3A] : memref<2x10000x128xf32, #tpu.memory_space<hbm>> -> memref<1x625x128xf32, #tpu.memory_space<hbm>>
      %dma_start3A_26 = tpu.memref_squeeze %dma_start3A_25 : memref<1x625x128xf32, #tpu.memory_space<hbm>> -> memref<625x128xf32, #tpu.memory_space<hbm>>
      %dma_start3A_27 = arith.constant 0 : i32
      %dma_start3A_28 = tpu.memref_slice %arg12[%mul3A_18, %dma_start3A_27] : memref<10000x128xf32, #tpu.memory_space<vmem_shared>> -> memref<625x128xf32, #tpu.memory_space<vmem_shared>>
      tpu.enqueue_dma source(%dma_start3A_28 : memref<625x128xf32, #tpu.memory_space<vmem_shared>>) target(%dma_start3A_26 : memref<625x128xf32, #tpu.memory_space<hbm>>) target_semaphore(%run_scoped3A : memref<!tpu.dma_semaphore, #tpu.memory_space<semaphore_mem>>)
      %dma_wait3A = arith.constant 0 : i32
      %dma_wait3A_29 = tpu.memref_slice %arg7[%arg0, %mul3A_20, %dma_wait3A] : memref<2x10000x128xf32, #tpu.memory_space<hbm>> -> memref<1x625x128xf32, #tpu.memory_space<hbm>>
      %dma_wait3A_30 = tpu.memref_squeeze %dma_wait3A_29 : memref<1x625x128xf32, #tpu.memory_space<hbm>> -> memref<625x128xf32, #tpu.memory_space<hbm>>
      %dma_wait3A_31 = arith.constant 0 : i32
      %dma_wait3A_32 = tpu.memref_slice %arg12[%mul3A_18, %dma_wait3A_31] : memref<10000x128xf32, #tpu.memory_space<vmem_shared>> -> memref<625x128xf32, #tpu.memory_space<vmem_shared>>
      tpu.wait_dma2 semaphore(%run_scoped3A : memref<!tpu.dma_semaphore, #tpu.memory_space<semaphore_mem>>) src(%dma_wait3A_32 : memref<625x128xf32, #tpu.memory_space<vmem_shared>>) dst(%dma_wait3A_30 : memref<625x128xf32, #tpu.memory_space<hbm>>)
      tpu.yield
    }) : () -> ()
    %mul3A_21 = arith.constant 625 : i32
    %mul3A_22 = arith.muli %arg1, %mul3A_21 : i32
    %mul3A_23 = arith.constant 625 : i32
    %mul3A_24 = arith.muli %arg1, %mul3A_23 : i32
    "tpu.region"() ({
      %run_scoped3A = tpu.sem_alloc : memref<!tpu.dma_semaphore, #tpu.memory_space<semaphore_mem>>
      %dma_start3A = arith.constant 0 : i32
      %dma_start3A_25 = tpu.memref_slice %arg8[%arg0, %mul3A_24, %dma_start3A] : memref<2x10000x32xf32, #tpu.memory_space<hbm>> -> memref<1x625x32xf32, #tpu.memory_space<hbm>>
      %dma_start3A_26 = tpu.memref_squeeze %dma_start3A_25 : memref<1x625x32xf32, #tpu.memory_space<hbm>> -> memref<625x32xf32, #tpu.memory_space<hbm>>
      %dma_start3A_27 = arith.constant 0 : i32
      %dma_start3A_28 = tpu.memref_slice %arg13[%mul3A_22, %dma_start3A_27] : memref<10000x32xf32, #tpu.memory_space<vmem_shared>> -> memref<625x32xf32, #tpu.memory_space<vmem_shared>>
      tpu.enqueue_dma source(%dma_start3A_28 : memref<625x32xf32, #tpu.memory_space<vmem_shared>>) target(%dma_start3A_26 : memref<625x32xf32, #tpu.memory_space<hbm>>) target_semaphore(%run_scoped3A : memref<!tpu.dma_semaphore, #tpu.memory_space<semaphore_mem>>)
      %dma_wait3A = arith.constant 0 : i32
      %dma_wait3A_29 = tpu.memref_slice %arg8[%arg0, %mul3A_24, %dma_wait3A] : memref<2x10000x32xf32, #tpu.memory_space<hbm>> -> memref<1x625x32xf32, #tpu.memory_space<hbm>>
      %dma_wait3A_30 = tpu.memref_squeeze %dma_wait3A_29 : memref<1x625x32xf32, #tpu.memory_space<hbm>> -> memref<625x32xf32, #tpu.memory_space<hbm>>
      %dma_wait3A_31 = arith.constant 0 : i32
      %dma_wait3A_32 = tpu.memref_slice %arg13[%mul3A_22, %dma_wait3A_31] : memref<10000x32xf32, #tpu.memory_space<vmem_shared>> -> memref<625x32xf32, #tpu.memory_space<vmem_shared>>
      tpu.wait_dma2 semaphore(%run_scoped3A : memref<!tpu.dma_semaphore, #tpu.memory_space<semaphore_mem>>) src(%dma_wait3A_32 : memref<625x32xf32, #tpu.memory_space<vmem_shared>>) dst(%dma_wait3A_30 : memref<625x32xf32, #tpu.memory_space<hbm>>)
      tpu.yield
    }) : () -> ()
    return
  }
}

module attributes {stable_mosaic.version = 14 : i64} {
  func.func @_deg_body(%arg0: memref<32x10000xf32, #tpu.memory_space<vmem>>, %arg1: memref<1x10000xf32, #tpu.memory_space<vmem>>) attributes {dimension_semantics = [], scalar_prefetch = 0 : i64, scratch_operands = 0 : i64, tpu.core_type = #tpu.core_type<tc>} {
    %get3A = arith.constant 0 : index
    %get3A_0 = arith.constant 0 : index
    %get3A_1 = vector.load %arg0[%get3A, %get3A_0] : memref<32x10000xf32, #tpu.memory_space<vmem>>, vector<32x10000xf32>
    %reduce_sum3A = arith.constant dense<0.000000e+00> : vector<10000xf32>
    %reduce_sum3A_2 = vector.multi_reduction <add>, %get3A_1, %reduce_sum3A [0] : vector<32x10000xf32> to vector<10000xf32>
    %broadcast_in_dim3A = vector.shape_cast %reduce_sum3A_2 : vector<10000xf32> to vector<1x10000xf32>
    %div3A = arith.constant 1.000000e+00 : f32
    %div3A_3 = vector.broadcast %div3A : f32 to vector<1x10000xf32>
    %div3A_4 = arith.divf %div3A_3, %broadcast_in_dim3A : vector<1x10000xf32>
    %swap3A = arith.constant 0 : index
    %swap3A_5 = arith.constant 0 : index
    %swap3A_6 = vector.load %arg1[%swap3A, %swap3A_5] : memref<1x10000xf32, #tpu.memory_space<vmem>>, vector<1x10000xf32>
    tpu.vector_store %arg1[%swap3A, %swap3A_5], %div3A_4 {strides = array<i32>} : memref<1x10000xf32, #tpu.memory_space<vmem>>, vector<1x10000xf32>,
    return
  }
}

module attributes {stable_mosaic.version = 14 : i64} {
  func.func @_edge_mlp_body(%arg0: i32, %arg1: memref<2000x128xf32, #tpu.memory_space<vmem>>, %arg2: memref<2000x128xf32, #tpu.memory_space<vmem>>, %arg3: memref<2000x128xf32, #tpu.memory_space<vmem>>, %arg4: memref<2000x16xf32, #tpu.memory_space<vmem>>, %arg5: memref<2000x16xf32, #tpu.memory_space<vmem>>, %arg6: memref<2000x1xf32, #tpu.memory_space<vmem>>, %arg7: memref<288x144xf32, #tpu.memory_space<vmem>>, %arg8: memref<144xf32, #tpu.memory_space<vmem>>, %arg9: memref<144x72xf32, #tpu.memory_space<vmem>>, %arg10: memref<72xf32, #tpu.memory_space<vmem>>, %arg11: memref<72x36xf32, #tpu.memory_space<vmem>>, %arg12: memref<36xf32, #tpu.memory_space<vmem>>, %arg13: memref<36x8xf32, #tpu.memory_space<vmem>>, %arg14: memref<8xf32, #tpu.memory_space<vmem>>, %arg15: memref<8x16xf32, #tpu.memory_space<vmem>>, %arg16: memref<16xf32, #tpu.memory_space<vmem>>, %arg17: memref<16x32xf32, #tpu.memory_space<vmem>>, %arg18: memref<32xf32, #tpu.memory_space<vmem>>, %arg19: memref<2000x32xf32, #tpu.memory_space<vmem>>, %arg20: memref<2000x128xf32, #tpu.memory_space<vmem>>, %arg21: memref<2000x32xf32, #tpu.memory_space<vmem>>) attributes {dimension_semantics = [#tpu.dimension_semantics<arbitrary>], iteration_bounds = array<i64: 160>, scalar_prefetch = 0 : i64, scratch_operands = 0 : i64, tpu.core_type = #tpu.core_type<tc>, window_params = [{transform_indices = @transform_0, window_bounds = array<i64: 2000, 128>}, {transform_indices = @transform_1, window_bounds = array<i64: 2000, 128>}, {transform_indices = @transform_2, window_bounds = array<i64: 2000, 128>}, {transform_indices = @transform_3, window_bounds = array<i64: 2000, 16>}, {transform_indices = @transform_4, window_bounds = array<i64: 2000, 16>}, {transform_indices = @transform_5, window_bounds = array<i64: 2000, 1>}, {pipeline_mode = #tpu.pipeline_mode<synchronous>, transform_indices = @transform_6, window_bounds = array<i64: 288, 144>}, {pipeline_mode = #tpu.pipeline_mode<synchronous>, transform_indices = @transform_7, window_bounds = array<i64: 144>}, {pipeline_mode = #tpu.pipeline_mode<synchronous>, transform_indices = @transform_8, window_bounds = array<i64: 144, 72>}, {pipeline_mode = #tpu.pipeline_mode<synchronous>, transform_indices = @transform_9, window_bounds = array<i64: 72>}, {pipeline_mode = #tpu.pipeline_mode<synchronous>, transform_indices = @transform_10, window_bounds = array<i64: 72, 36>}, {pipeline_mode = #tpu.pipeline_mode<synchronous>, transform_indices = @transform_11, window_bounds = array<i64: 36>}, {pipeline_mode = #tpu.pipeline_mode<synchronous>, transform_indices = @transform_12, window_bounds = array<i64: 36, 8>}, {pipeline_mode = #tpu.pipeline_mode<synchronous>, transform_indices = @transform_13, window_bounds = array<i64: 8>}, {pipeline_mode = #tpu.pipeline_mode<synchronous>, transform_indices = @transform_14, window_bounds = array<i64: 8, 16>}, {pipeline_mode = #tpu.pipeline_mode<synchronous>, transform_indices = @transform_15, window_bounds = array<i64: 16>}, {pipeline_mode = #tpu.pipeline_mode<synchronous>, transform_indices = @transform_16, window_bounds = array<i64: 16, 32>}, {pipeline_mode = #tpu.pipeline_mode<synchronous>, transform_indices = @transform_17, window_bounds = array<i64: 32>}, {transform_indices = @transform_18, window_bounds = array<i64: 2000, 32>}, {transform_indices = @transform_19, window_bounds = array<i64: 2000, 128>}, {transform_indices = @transform_20, window_bounds = array<i64: 2000, 32>}]} {
    %get3A = arith.constant 0 : index
    %get3A_0 = arith.constant 0 : index
    %get3A_1 = vector.load %arg1[%get3A, %get3A_0] : memref<2000x128xf32, #tpu.memory_space<vmem>>, vector<2000x128xf32>
    %get3A_2 = arith.constant 0 : index
    %get3A_3 = arith.constant 0 : index
    %get3A_4 = vector.load %arg2[%get3A_2, %get3A_3] : memref<2000x128xf32, #tpu.memory_space<vmem>>, vector<2000x128xf32>
    %get3A_5 = arith.constant 0 : index
    %get3A_6 = arith.constant 0 : index
    %get3A_7 = vector.load %arg4[%get3A_5, %get3A_6] : memref<2000x16xf32, #tpu.memory_space<vmem>>, vector<2000x16xf32>
    %get3A_8 = arith.constant 0 : index
    %get3A_9 = arith.constant 0 : index
    %get3A_10 = vector.load %arg5[%get3A_8, %get3A_9] : memref<2000x16xf32, #tpu.memory_space<vmem>>, vector<2000x16xf32>
    %concatenate3A = tpu.concatenate %get3A_1, %get3A_4, %get3A_7, %get3A_10 in 1 : vector<2000x128xf32>, vector<2000x128xf32>, vector<2000x16xf32>, vector<2000x16xf32> -> vector<2000x288xf32>
    %get3A_11 = arith.constant 0 : index
    %get3A_12 = arith.constant 0 : index
    %get3A_13 = vector.load %arg7[%get3A_11, %get3A_12] : memref<288x144xf32, #tpu.memory_space<vmem>>, vector<288x144xf32>
    %dot_general3A = arith.constant dense<0.000000e+00> : vector<2000x144xf32>
    %dot_general3A_14 = tpu.matmul %concatenate3A, %get3A_13, %dot_general3A {dimension_numbers = #tpu.dot_dimension_numbers<[1], [0], [0], [1], [0, 0, 1, 1], [], []>, transpose_lhs_hint = false} : vector<2000x288xf32>, vector<288x144xf32>, vector<2000x144xf32> -> vector<2000x144xf32>
    %get3A_15 = arith.constant 0 : index
    %get3A_16 = vector.load %arg8[%get3A_15] : memref<144xf32, #tpu.memory_space<vmem>>, vector<144xf32>
    %broadcast_in_dim3A = vector.shape_cast %get3A_16 : vector<144xf32> to vector<1x144xf32>
    %add3A = vector.broadcast %broadcast_in_dim3A : vector<1x144xf32> to vector<2000x144xf32>
    %add3A_17 = arith.addf %dot_general3A_14, %add3A : vector<2000x144xf32>
    %max3A = arith.constant 0.000000e+00 : f32
    %max3A_18 = vector.broadcast %max3A : f32 to vector<2000x144xf32>
    %max3A_19 = arith.maximumf %add3A_17, %max3A_18 : vector<2000x144xf32>
    %get3A_20 = arith.constant 0 : index
    %get3A_21 = arith.constant 0 : index
    %get3A_22 = vector.load %arg9[%get3A_20, %get3A_21] : memref<144x72xf32, #tpu.memory_space<vmem>>, vector<144x72xf32>
    %dot_general3A_23 = arith.constant dense<0.000000e+00> : vector<2000x72xf32>
    %dot_general3A_24 = tpu.matmul %max3A_19, %get3A_22, %dot_general3A_23 {dimension_numbers = #tpu.dot_dimension_numbers<[1], [0], [0], [1], [0, 0, 1, 1], [], []>, transpose_lhs_hint = false} : vector<2000x144xf32>, vector<144x72xf32>, vector<2000x72xf32> -> vector<2000x72xf32>
    %get3A_25 = arith.constant 0 : index
    %get3A_26 = vector.load %arg10[%get3A_25] : memref<72xf32, #tpu.memory_space<vmem>>, vector<72xf32>
    %broadcast_in_dim3A_27 = vector.shape_cast %get3A_26 : vector<72xf32> to vector<1x72xf32>
    %add3A_28 = vector.broadcast %broadcast_in_dim3A_27 : vector<1x72xf32> to vector<2000x72xf32>
    %add3A_29 = arith.addf %dot_general3A_24, %add3A_28 : vector<2000x72xf32>
    %max3A_30 = arith.constant 0.000000e+00 : f32
    %max3A_31 = vector.broadcast %max3A_30 : f32 to vector<2000x72xf32>
    %max3A_32 = arith.maximumf %add3A_29, %max3A_31 : vector<2000x72xf32>
    %get3A_33 = arith.constant 0 : index
    %get3A_34 = arith.constant 0 : index
    %get3A_35 = vector.load %arg11[%get3A_33, %get3A_34] : memref<72x36xf32, #tpu.memory_space<vmem>>, vector<72x36xf32>
    %dot_general3A_36 = arith.constant dense<0.000000e+00> : vector<2000x36xf32>
    %dot_general3A_37 = tpu.matmul %max3A_32, %get3A_35, %dot_general3A_36 {dimension_numbers = #tpu.dot_dimension_numbers<[1], [0], [0], [1], [0, 0, 1, 1], [], []>, transpose_lhs_hint = false} : vector<2000x72xf32>, vector<72x36xf32>, vector<2000x36xf32> -> vector<2000x36xf32>
    %get3A_38 = arith.constant 0 : index
    %get3A_39 = vector.load %arg12[%get3A_38] : memref<36xf32, #tpu.memory_space<vmem>>, vector<36xf32>
    %broadcast_in_dim3A_40 = vector.shape_cast %get3A_39 : vector<36xf32> to vector<1x36xf32>
    %add3A_41 = vector.broadcast %broadcast_in_dim3A_40 : vector<1x36xf32> to vector<2000x36xf32>
    %add3A_42 = arith.addf %dot_general3A_37, %add3A_41 : vector<2000x36xf32>
    %max3A_43 = arith.constant 0.000000e+00 : f32
    %max3A_44 = vector.broadcast %max3A_43 : f32 to vector<2000x36xf32>
    %max3A_45 = arith.maximumf %add3A_42, %max3A_44 : vector<2000x36xf32>
    %get3A_46 = arith.constant 0 : index
    %get3A_47 = arith.constant 0 : index
    %get3A_48 = vector.load %arg13[%get3A_46, %get3A_47] : memref<36x8xf32, #tpu.memory_space<vmem>>, vector<36x8xf32>
    %dot_general3A_49 = arith.constant dense<0.000000e+00> : vector<2000x8xf32>
    %dot_general3A_50 = tpu.matmul %max3A_45, %get3A_48, %dot_general3A_49 {dimension_numbers = #tpu.dot_dimension_numbers<[1], [0], [0], [1], [0, 0, 1, 1], [], []>, transpose_lhs_hint = false} : vector<2000x36xf32>, vector<36x8xf32>, vector<2000x8xf32> -> vector<2000x8xf32>
    %get3A_51 = arith.constant 0 : index
    %get3A_52 = vector.load %arg14[%get3A_51] : memref<8xf32, #tpu.memory_space<vmem>>, vector<8xf32>
    %broadcast_in_dim3A_53 = vector.shape_cast %get3A_52 : vector<8xf32> to vector<1x8xf32>
    %add3A_54 = vector.broadcast %broadcast_in_dim3A_53 : vector<1x8xf32> to vector<2000x8xf32>
    %add3A_55 = arith.addf %dot_general3A_50, %add3A_54 : vector<2000x8xf32>
    %max3A_56 = arith.constant 0.000000e+00 : f32
    %max3A_57 = vector.broadcast %max3A_56 : f32 to vector<2000x8xf32>
    %max3A_58 = arith.maximumf %add3A_55, %max3A_57 : vector<2000x8xf32>
    %get3A_59 = arith.constant 0 : index
    %get3A_60 = arith.constant 0 : index
    %get3A_61 = vector.load %arg15[%get3A_59, %get3A_60] : memref<8x16xf32, #tpu.memory_space<vmem>>, vector<8x16xf32>
    %dot_general3A_62 = arith.constant dense<0.000000e+00> : vector<2000x16xf32>
    %dot_general3A_63 = tpu.matmul %max3A_58, %get3A_61, %dot_general3A_62 {dimension_numbers = #tpu.dot_dimension_numbers<[1], [0], [0], [1], [0, 0, 1, 1], [], []>, transpose_lhs_hint = false} : vector<2000x8xf32>, vector<8x16xf32>, vector<2000x16xf32> -> vector<2000x16xf32>
    %get3A_64 = arith.constant 0 : index
    %get3A_65 = vector.load %arg16[%get3A_64] : memref<16xf32, #tpu.memory_space<vmem>>, vector<16xf32>
    %broadcast_in_dim3A_66 = vector.shape_cast %get3A_65 : vector<16xf32> to vector<1x16xf32>
    %add3A_67 = vector.broadcast %broadcast_in_dim3A_66 : vector<1x16xf32> to vector<2000x16xf32>
    %add3A_68 = arith.addf %dot_general3A_63, %add3A_67 : vector<2000x16xf32>
    %max3A_69 = arith.constant 0.000000e+00 : f32
    %max3A_70 = vector.broadcast %max3A_69 : f32 to vector<2000x16xf32>
    %max3A_71 = arith.maximumf %add3A_68, %max3A_70 : vector<2000x16xf32>
    %get3A_72 = arith.constant 0 : index
    %get3A_73 = arith.constant 0 : index
    %get3A_74 = vector.load %arg17[%get3A_72, %get3A_73] : memref<16x32xf32, #tpu.memory_space<vmem>>, vector<16x32xf32>
    %dot_general3A_75 = arith.constant dense<0.000000e+00> : vector<2000x32xf32>
    %dot_general3A_76 = tpu.matmul %max3A_71, %get3A_74, %dot_general3A_75 {dimension_numbers = #tpu.dot_dimension_numbers<[1], [0], [0], [1], [0, 0, 1, 1], [], []>, transpose_lhs_hint = false} : vector<2000x16xf32>, vector<16x32xf32>, vector<2000x32xf32> -> vector<2000x32xf32>
    %get3A_77 = arith.constant 0 : index
    %get3A_78 = vector.load %arg18[%get3A_77] : memref<32xf32, #tpu.memory_space<vmem>>, vector<32xf32>
    %broadcast_in_dim3A_79 = vector.shape_cast %get3A_78 : vector<32xf32> to vector<1x32xf32>
    %add3A_80 = vector.broadcast %broadcast_in_dim3A_79 : vector<1x32xf32> to vector<2000x32xf32>
    %add3A_81 = arith.addf %dot_general3A_76, %add3A_80 : vector<2000x32xf32>
    %swap3A = arith.constant 0 : index
    %swap3A_82 = arith.constant 0 : index
    %swap3A_83 = vector.load %arg19[%swap3A, %swap3A_82] : memref<2000x32xf32, #tpu.memory_space<vmem>>, vector<2000x32xf32>
    tpu.vector_store %arg19[%swap3A, %swap3A_82], %add3A_81 {strides = array<i32>} : memref<2000x32xf32, #tpu.memory_space<vmem>>, vector<2000x32xf32>,
    %get3A_84 = arith.constant 0 : index
    %get3A_85 = arith.constant 0 : index
    %get3A_86 = vector.load %arg6[%get3A_84, %get3A_85] : memref<2000x1xf32, #tpu.memory_space<vmem>>, vector<2000x1xf32>
    %get3A_87 = arith.constant 0 : index
    %get3A_88 = arith.constant 0 : index
    %get3A_89 = vector.load %arg3[%get3A_87, %get3A_88] : memref<2000x128xf32, #tpu.memory_space<vmem>>, vector<2000x128xf32>
    %mul3A = vector.broadcast %get3A_86 : vector<2000x1xf32> to vector<2000x128xf32>
    %mul3A_90 = arith.mulf %get3A_89, %mul3A : vector<2000x128xf32>
    %swap3A_91 = arith.constant 0 : index
    %swap3A_92 = arith.constant 0 : index
    %swap3A_93 = vector.load %arg20[%swap3A_91, %swap3A_92] : memref<2000x128xf32, #tpu.memory_space<vmem>>, vector<2000x128xf32>
    tpu.vector_store %arg20[%swap3A_91, %swap3A_92], %mul3A_90 {strides = array<i32>} : memref<2000x128xf32, #tpu.memory_space<vmem>>, vector<2000x128xf32>,
    %get3A_94 = arith.constant 0 : index
    %get3A_95 = arith.constant 0 : index
    %get3A_96 = vector.load %arg4[%get3A_94, %get3A_95] : memref<2000x16xf32, #tpu.memory_space<vmem>>, vector<2000x16xf32>
    %get3A_97 = arith.constant 0 : index
    %get3A_98 = arith.constant 0 : index
    %get3A_99 = vector.load %arg5[%get3A_97, %get3A_98] : memref<2000x16xf32, #tpu.memory_space<vmem>>, vector<2000x16xf32>
    %concatenate3A_100 = tpu.concatenate %get3A_96, %get3A_99 in 1 : vector<2000x16xf32>, vector<2000x16xf32> -> vector<2000x32xf32>
    %mul3A_101 = vector.broadcast %get3A_86 : vector<2000x1xf32> to vector<2000x32xf32>
    %mul3A_102 = arith.mulf %concatenate3A_100, %mul3A_101 : vector<2000x32xf32>
    %swap3A_103 = arith.constant 0 : index
    %swap3A_104 = arith.constant 0 : index
    %swap3A_105 = vector.load %arg21[%swap3A_103, %swap3A_104] : memref<2000x32xf32, #tpu.memory_space<vmem>>, vector<2000x32xf32>
    tpu.vector_store %arg21[%swap3A_103, %swap3A_104], %mul3A_102 {strides = array<i32>} : memref<2000x32xf32, #tpu.memory_space<vmem>>, vector<2000x32xf32>,
    return
  }
  func.func @transform_0(%arg0: i32) -> (i32, i32) {
    %c0_i32 = arith.constant 0 : i32
    %c0_i32_0 = arith.constant 0 : i32
    return %arg0, %c0_i32 : i32, i32
  }
  func.func @transform_1(%arg0: i32) -> (i32, i32) {
    %c0_i32 = arith.constant 0 : i32
    %c0_i32_0 = arith.constant 0 : i32
    return %arg0, %c0_i32 : i32, i32
  }
  func.func @transform_2(%arg0: i32) -> (i32, i32) {
    %c0_i32 = arith.constant 0 : i32
    %c0_i32_0 = arith.constant 0 : i32
    return %arg0, %c0_i32 : i32, i32
  }
  func.func @transform_3(%arg0: i32) -> (i32, i32) {
    %c0_i32 = arith.constant 0 : i32
    %c0_i32_0 = arith.constant 0 : i32
    return %arg0, %c0_i32 : i32, i32
  }
  func.func @transform_4(%arg0: i32) -> (i32, i32) {
    %c0_i32 = arith.constant 0 : i32
    %c0_i32_0 = arith.constant 0 : i32
    return %arg0, %c0_i32 : i32, i32
  }
  func.func @transform_5(%arg0: i32) -> (i32, i32) {
    %c0_i32 = arith.constant 0 : i32
    %c0_i32_0 = arith.constant 0 : i32
    return %arg0, %c0_i32 : i32, i32
  }
  func.func @transform_6(%arg0: i32) -> (i32, i32) {
    %c0_i32 = arith.constant 0 : i32
    %c0_i32_0 = arith.constant 0 : i32
    %c0_i32_1 = arith.constant 0 : i32
    return %c0_i32, %c0_i32_0 : i32, i32
  }
  func.func @transform_7(%arg0: i32) -> i32 {
    %c0_i32 = arith.constant 0 : i32
    %c0_i32_0 = arith.constant 0 : i32
    return %c0_i32 : i32
  }
  func.func @transform_8(%arg0: i32) -> (i32, i32) {
    %c0_i32 = arith.constant 0 : i32
    %c0_i32_0 = arith.constant 0 : i32
    %c0_i32_1 = arith.constant 0 : i32
    return %c0_i32, %c0_i32_0 : i32, i32
  }
  func.func @transform_9(%arg0: i32) -> i32 {
    %c0_i32 = arith.constant 0 : i32
    %c0_i32_0 = arith.constant 0 : i32
    return %c0_i32 : i32
  }
  func.func @transform_10(%arg0: i32) -> (i32, i32) {
    %c0_i32 = arith.constant 0 : i32
    %c0_i32_0 = arith.constant 0 : i32
    %c0_i32_1 = arith.constant 0 : i32
    return %c0_i32, %c0_i32_0 : i32, i32
  }
  func.func @transform_11(%arg0: i32) -> i32 {
    %c0_i32 = arith.constant 0 : i32
    %c0_i32_0 = arith.constant 0 : i32
    return %c0_i32 : i32
  }
  func.func @transform_12(%arg0: i32) -> (i32, i32) {
    %c0_i32 = arith.constant 0 : i32
    %c0_i32_0 = arith.constant 0 : i32
    %c0_i32_1 = arith.constant 0 : i32
    return %c0_i32, %c0_i32_0 : i32, i32
  }
  func.func @transform_13(%arg0: i32) -> i32 {
    %c0_i32 = arith.constant 0 : i32
    %c0_i32_0 = arith.constant 0 : i32
    return %c0_i32 : i32
  }
  func.func @transform_14(%arg0: i32) -> (i32, i32) {
    %c0_i32 = arith.constant 0 : i32
    %c0_i32_0 = arith.constant 0 : i32
    %c0_i32_1 = arith.constant 0 : i32
    return %c0_i32, %c0_i32_0 : i32, i32
  }
  func.func @transform_15(%arg0: i32) -> i32 {
    %c0_i32 = arith.constant 0 : i32
    %c0_i32_0 = arith.constant 0 : i32
    return %c0_i32 : i32
  }
  func.func @transform_16(%arg0: i32) -> (i32, i32) {
    %c0_i32 = arith.constant 0 : i32
    %c0_i32_0 = arith.constant 0 : i32
    %c0_i32_1 = arith.constant 0 : i32
    return %c0_i32, %c0_i32_0 : i32, i32
  }
  func.func @transform_17(%arg0: i32) -> i32 {
    %c0_i32 = arith.constant 0 : i32
    %c0_i32_0 = arith.constant 0 : i32
    return %c0_i32 : i32
  }
  func.func @transform_18(%arg0: i32) -> (i32, i32) {
    %c0_i32 = arith.constant 0 : i32
    %c0_i32_0 = arith.constant 0 : i32
    return %arg0, %c0_i32 : i32, i32
  }
  func.func @transform_19(%arg0: i32) -> (i32, i32) {
    %c0_i32 = arith.constant 0 : i32
    %c0_i32_0 = arith.constant 0 : i32
    return %arg0, %c0_i32 : i32, i32
  }
  func.func @transform_20(%arg0: i32) -> (i32, i32) {
    %c0_i32 = arith.constant 0 : i32
    %c0_i32_0 = arith.constant 0 : i32
    return %arg0, %c0_i32 : i32, i32
  }
}

module attributes {stable_mosaic.version = 14 : i64} {
  func.func @_node_body(%arg0: i32, %arg1: memref<2000x128xf32, #tpu.memory_space<vmem>>, %arg2: memref<2000x32xf32, #tpu.memory_space<vmem>>, %arg3: memref<2000x128xf32, #tpu.memory_space<vmem>>, %arg4: memref<2000x1xf32, #tpu.memory_space<vmem>>, %arg5: memref<160x128xf32, #tpu.memory_space<vmem>>, %arg6: memref<128xf32, #tpu.memory_space<vmem>>, %arg7: memref<2000x128xf32, #tpu.memory_space<vmem>>) attributes {dimension_semantics = [#tpu.dimension_semantics<arbitrary>], iteration_bounds = array<i64: 5>, scalar_prefetch = 0 : i64, scratch_operands = 0 : i64, tpu.core_type = #tpu.core_type<tc>, window_params = [{transform_indices = @transform_0, window_bounds = array<i64: 2000, 128>}, {transform_indices = @transform_1, window_bounds = array<i64: 2000, 32>}, {transform_indices = @transform_2, window_bounds = array<i64: 2000, 128>}, {transform_indices = @transform_3, window_bounds = array<i64: 2000, 1>}, {pipeline_mode = #tpu.pipeline_mode<synchronous>, transform_indices = @transform_4, window_bounds = array<i64: 160, 128>}, {pipeline_mode = #tpu.pipeline_mode<synchronous>, transform_indices = @transform_5, window_bounds = array<i64: 128>}, {transform_indices = @transform_6, window_bounds = array<i64: 2000, 128>}]} {
    %get3A = arith.constant 0 : index
    %get3A_0 = arith.constant 0 : index
    %get3A_1 = vector.load %arg1[%get3A, %get3A_0] : memref<2000x128xf32, #tpu.memory_space<vmem>>, vector<2000x128xf32>
    %get3A_2 = arith.constant 0 : index
    %get3A_3 = arith.constant 0 : index
    %get3A_4 = vector.load %arg2[%get3A_2, %get3A_3] : memref<2000x32xf32, #tpu.memory_space<vmem>>, vector<2000x32xf32>
    %get3A_5 = arith.constant 0 : index
    %get3A_6 = arith.constant 0 : index
    %get3A_7 = vector.load %arg4[%get3A_5, %get3A_6] : memref<2000x1xf32, #tpu.memory_space<vmem>>, vector<2000x1xf32>
    %sqrt3A = math.sqrt %get3A_7 : vector<2000x1xf32>
    %mul3A = vector.broadcast %sqrt3A : vector<2000x1xf32> to vector<2000x128xf32>
    %mul3A_8 = arith.mulf %get3A_1, %mul3A : vector<2000x128xf32>
    %get3A_9 = arith.constant 0 : index
    %get3A_10 = arith.constant 0 : index
    %get3A_11 = vector.load %arg3[%get3A_9, %get3A_10] : memref<2000x128xf32, #tpu.memory_space<vmem>>, vector<2000x128xf32>
    %mul3A_12 = vector.broadcast %get3A_7 : vector<2000x1xf32> to vector<2000x128xf32>
    %mul3A_13 = arith.mulf %get3A_11, %mul3A_12 : vector<2000x128xf32>
    %add3A = arith.addf %mul3A_8, %mul3A_13 : vector<2000x128xf32>
    %mul3A_14 = vector.broadcast %sqrt3A : vector<2000x1xf32> to vector<2000x32xf32>
    %mul3A_15 = arith.mulf %get3A_4, %mul3A_14 : vector<2000x32xf32>
    %concatenate3A = tpu.concatenate %add3A, %mul3A_15 in 1 : vector<2000x128xf32>, vector<2000x32xf32> -> vector<2000x160xf32>
    %get3A_16 = arith.constant 0 : index
    %get3A_17 = arith.constant 0 : index
    %get3A_18 = vector.load %arg5[%get3A_16, %get3A_17] : memref<160x128xf32, #tpu.memory_space<vmem>>, vector<160x128xf32>
    %dot_general3A = arith.constant dense<0.000000e+00> : vector<2000x128xf32>
    %dot_general3A_19 = tpu.matmul %concatenate3A, %get3A_18, %dot_general3A {dimension_numbers = #tpu.dot_dimension_numbers<[1], [0], [0], [1], [0, 0, 1, 1], [], []>, transpose_lhs_hint = false} : vector<2000x160xf32>, vector<160x128xf32>, vector<2000x128xf32> -> vector<2000x128xf32>
    %get3A_20 = arith.constant 0 : index
    %get3A_21 = vector.load %arg6[%get3A_20] : memref<128xf32, #tpu.memory_space<vmem>>, vector<128xf32>
    %broadcast_in_dim3A = vector.shape_cast %get3A_21 : vector<128xf32> to vector<1x128xf32>
    %add3A_22 = vector.broadcast %broadcast_in_dim3A : vector<1x128xf32> to vector<2000x128xf32>
    %add3A_23 = arith.addf %dot_general3A_19, %add3A_22 : vector<2000x128xf32>
    %logistic3A = arith.negf %add3A_23 : vector<2000x128xf32>
    %logistic3A_24 = math.exp %logistic3A : vector<2000x128xf32>
    %logistic3A_25 = arith.constant 1.000000e+00 : f32
    %logistic3A_26 = vector.broadcast %logistic3A_25 : f32 to vector<2000x128xf32>
    %logistic3A_27 = arith.addf %logistic3A_26, %logistic3A_24 : vector<2000x128xf32>
    %logistic3A_28 = arith.divf %logistic3A_26, %logistic3A_27 : vector<2000x128xf32>
    %mul3A_29 = arith.mulf %add3A_23, %logistic3A_28 : vector<2000x128xf32>
    %swap3A = arith.constant 0 : index
    %swap3A_30 = arith.constant 0 : index
    %swap3A_31 = vector.load %arg7[%swap3A, %swap3A_30] : memref<2000x128xf32, #tpu.memory_space<vmem>>, vector<2000x128xf32>
    tpu.vector_store %arg7[%swap3A, %swap3A_30], %mul3A_29 {strides = array<i32>} : memref<2000x128xf32, #tpu.memory_space<vmem>>, vector<2000x128xf32>,
    return
  }
  func.func @transform_0(%arg0: i32) -> (i32, i32) {
    %c0_i32 = arith.constant 0 : i32
    %c0_i32_0 = arith.constant 0 : i32
    return %arg0, %c0_i32 : i32, i32
  }
  func.func @transform_1(%arg0: i32) -> (i32, i32) {
    %c0_i32 = arith.constant 0 : i32
    %c0_i32_0 = arith.constant 0 : i32
    return %arg0, %c0_i32 : i32, i32
  }
  func.func @transform_2(%arg0: i32) -> (i32, i32) {
    %c0_i32 = arith.constant 0 : i32
    %c0_i32_0 = arith.constant 0 : i32
    return %arg0, %c0_i32 : i32, i32
  }
  func.func @transform_3(%arg0: i32) -> (i32, i32) {
    %c0_i32 = arith.constant 0 : i32
    %c0_i32_0 = arith.constant 0 : i32
    return %arg0, %c0_i32 : i32, i32
  }
  func.func @transform_4(%arg0: i32) -> (i32, i32) {
    %c0_i32 = arith.constant 0 : i32
    %c0_i32_0 = arith.constant 0 : i32
    %c0_i32_1 = arith.constant 0 : i32
    return %c0_i32, %c0_i32_0 : i32, i32
  }
  func.func @transform_5(%arg0: i32) -> i32 {
    %c0_i32 = arith.constant 0 : i32
    %c0_i32_0 = arith.constant 0 : i32
    return %c0_i32 : i32
  }
  func.func @transform_6(%arg0: i32) -> (i32, i32) {
    %c0_i32 = arith.constant 0 : i32
    %c0_i32_0 = arith.constant 0 : i32
    return %arg0, %c0_i32 : i32, i32
  }
}

</mosaic_0001>

<sc_bundles>
// kernel: kernel.11.cloned.1.call-start
scs
__scs_entry_jumppad:
0x0: {  	(pc) =	sbr.rel $0x88, $3  }
0x1: {  	(tag) =	ssettag $0x0;
	lr =	simm.s32 $0x1  }
0x2: {  	[smem:$0x3F8F] =	sst lr;
	_ =	strace $0xD0000000  }
0x3: {  	_ = 	snop  }
0x4: {  	_ = 	snop  }
0x5: {  	_ = 	snop  }
0x6: {  	_ = 	snop  }
0x7: {  	_ = 	snop  }
__scs_overlays_trampoline_lowered:
0x8: {  	[smem:$0x3F9E] =	sst s0  }
0x9: {  	[smem:$0x3F9F] =	sst s1  }
0xa: {  	[smem:$0x3FA0] =	sst s2  }
0xb: {  	[smem:$0x3FA1] =	sst s3  }
0xc: {  	[smem:$0x3FA2] =	sst s4  }
0xd: {  	[smem:$0x3FA3] =	sst s5  }
0xe: {  	[smem:$0x3FA4] =	sst s6  }
0xf: {  	[smem:$0x3FA5] =	sst s7  }
0x10: {  	[smem:$0x3FA6] =	sst s8  }
0x11: {  	[smem:$0x3FA7] =	sst s9;
	s0 =	simm.s32 @!p0 $0x0  }
0x12: {  	s1 =	sld [smem:$0x3F8D];
	s0 =	simm.s32 @p0 $0x1  }
0x13: {  	[smem:$0x3FA8] =	sst s0;
	s0 =	simm.s32 @!p1 $0x0  }
0x14: {  	s2 =	sld [smem:$0x3F8C];
	s0 =	simm.s32 @p1 $0x1  }
0x15: {  	[smem:$0x3FA9] =	sst s0;
	s0 =	simm.s32 @!p2 $0x0  }
0x16: {  	s3 =	sld [smem:$0x3FDB];
	s0 =	simm.s32 @p2 $0x1  }
0x17: {  	s4 =	simm.s32 $0x1BF5;
	[smem:$0x3FAB] =	sst s0  }
0x18: {  	s0 =	sld [smem:$0x3F8E];
	_ =	swait.ge [sflag:s4], $0x0  }
0x19: {  	s7 =	sld [smem:$0x3F8F]  }
0x1a: {  	s8 =	sadd.s32 $0xFFFFE003, lr  }
0x1b: {  	s9 =	sadd.s32 $0xFFFFFEF7, lr;
	s5 =	simm.s32 $0xFFFFFFFF;
	p2 =	slt.u32 s8, $0xFFFFF086  }
0x1c: {  	p1 =	slt.u32 s9, $0xF7A;
	s5 =	simm.s32 @!p2 $0x0  }
0x1d: {  	s5 =	simm.s32 @p1 $0x1;
	p0 =	seq.s32 s7, s2  }
0x1e: {  	s7 =	smul.u32 @!p0 $0xF7A, s2;
	p2 =	seq.s32 @!p0 s5, $0x0  }
0x1f: {  	s9 =	smul.u32 $0xF7A, s1;
	s8 =	simm.s32 @!p0 $0x1BF5;
	p2 =	por !p2, p0  }
0x20: {  	[sflag:s8] =	ssyncset.s32 @!p0 $0xFFFFF086;
	s6 =	sadd.s32 @!p0 s3, s7;
	s7 =	simm.s32 @!p0 $0x108  }
0x21: {  	s3 =	sadd.s32 s3, s9;
	s6 =	sadd.s32 @!p0 $0x88, s6;
	s7 =	simm.s32 @p2 $0x1082  }
0x22: {  	[simem:s7], [sflag:s8] =	dma.local @!p0 [hbm:s6], $0xF7A  }
0x23: {  	s9 =	sor.u32 $0xD0000000, s2;
	s6 =	simm.s32 $0x108;
	_ =	swait.ge @!p0 [sflag:s8], $0x0  }
0x24: {  	s3 =	sadd.s32 $0x88, s3;
	s6 =	simm.s32 @!p1 $0x1082;
	[sflag:s4] =	ssyncset.s32 $0xFFFFF086  }
0x25: {  	[simem:s6], [sflag:s4] =	dma.local [hbm:s3], $0xF7A  }
0x26: {  	[smem:$0x3F8F] =	sst s1;
	(tag) =	ssettag s2;
	_ =	strace s9  }
0x27: {  	s1 =	sld [smem:$0x3F9F]  }
0x28: {  	s2 =	sld [smem:$0x3FA0]  }
0x29: {  	s4 =	sld [smem:$0x3FA2]  }
0x2a: {  	p0 =	seq.s32 s5, $0x0;
	s5 =	sld [smem:$0x3FA3]  }
0x2b: {  	s6 =	sld [smem:$0x3FA4]  }
0x2c: {  	s7 =	sld [smem:$0x3FA5]  }
0x2d: {  	s3 =	simm.s32 $0x108;
	s8 =	sld [smem:$0x3FA6]  }
0x2e: {  	s3 =	simm.s32 @!p0 $0x1082;
	s9 =	sld [smem:$0x3FA7]  }
0x2f: {  	lr =	sadd.s32 s0, s3;
	s0 =	sld [smem:$0x3F9E]  }
0x30: {  	s3 =	sld [smem:$0x3FA1]  }
0x31: {  	[smem:$0x3FAA] =	sst s10  }
0x32: {  	s10 =	sld [smem:$0x3FA8];
	_ =	sdelay $0x3  }
0x33: {  	p0 =	seq.s32 s10, $0x1;
	s10 =	sld [smem:$0x3FAA];
	_ =	sdelay $0x3  }
0x34: {  	[smem:$0x3FAA] =	sst s10  }
0x35: {  	s10 =	sld [smem:$0x3FA9];
	_ =	sdelay $0x3  }
0x36: {  	p1 =	seq.s32 s10, $0x1;
	s10 =	sld [smem:$0x3FAA];
	_ =	sdelay $0x3  }
0x37: {  	[smem:$0x3FAA] =	sst s10  }
0x38: {  	s10 =	sld [smem:$0x3FAB]  }
0x39: {  	_ = 	snop;
	(pc) =	sbr.ind lr, $3  }
0x3a: {  	_ = 	snop  }
0x3b: {  	_ = 	snop  }
0x3c: {  	p2 =	seq.s32 s10, $0x1;
	s10 =	sld [smem:$0x3FAA]  }
0x3d: {  	_ =	shalt  }
0x3e: {  	_ =	shalt  }
0x3f: {  	_ =	shalt  }
0x40: {  	_ =	shalt  }
0x41: {  	_ =	shalt  }
0x42: {  	_ =	shalt  }
0x43: {  	_ =	shalt  }
0x44: {  	_ =	shalt  }
0x45: {  	_ =	shalt  }
0x46: {  	_ =	shalt  }
0x47: {  	_ =	shalt  }
0x48: {  	_ =	shalt  }
0x49: {  	_ =	shalt  }
0x4a: {  	_ =	shalt  }
0x4b: {  	_ =	shalt  }
0x4c: {  	_ =	shalt  }
0x4d: {  	_ =	shalt  }
0x4e: {  	_ =	shalt  }
0x4f: {  	_ =	shalt  }
0x50: {  	_ =	shalt  }
0x51: {  	_ =	shalt  }
0x52: {  	_ =	shalt  }
0x53: {  	_ =	shalt  }
0x54: {  	_ =	shalt  }
0x55: {  	_ =	shalt  }
0x56: {  	_ =	shalt  }
0x57: {  	_ =	shalt  }
0x58: {  	_ =	shalt  }
0x59: {  	_ =	shalt  }
0x5a: {  	_ =	shalt  }
0x5b: {  	_ =	shalt  }
0x5c: {  	_ =	shalt  }
0x5d: {  	_ =	shalt  }
0x5e: {  	_ =	shalt  }
0x5f: {  	_ =	shalt  }
0x60: {  	_ =	shalt  }
0x61: {  	_ =	shalt  }
0x62: {  	_ =	shalt  }
0x63: {  	_ =	shalt  }
0x64: {  	_ =	shalt  }
0x65: {  	_ =	shalt  }
0x66: {  	_ =	shalt  }
0x67: {  	_ =	shalt  }
0x68: {  	_ =	shalt  }
0x69: {  	_ =	shalt  }
0x6a: {  	_ =	shalt  }
0x6b: {  	_ =	shalt  }
0x6c: {  	_ =	shalt  }
0x6d: {  	_ =	shalt  }
0x6e: {  	_ =	shalt  }
0x6f: {  	_ =	shalt  }
0x70: {  	_ =	shalt  }
0x71: {  	_ =	shalt  }
0x72: {  	_ =	shalt  }
0x73: {  	_ =	shalt  }
0x74: {  	_ =	shalt  }
0x75: {  	_ =	shalt  }
0x76: {  	_ =	shalt  }
0x77: {  	_ =	shalt  }
0x78: {  	_ =	shalt  }
0x79: {  	_ =	shalt  }
0x7a: {  	_ =	shalt  }
0x7b: {  	_ =	shalt  }
0x7c: {  	_ =	shalt  }
0x7d: {  	_ =	shalt  }
0x7e: {  	_ =	shalt  }
0x7f: {  	_ =	shalt  }
0x80: {  	_ =	shalt  }
0x81: {  	_ =	shalt  }
0x82: {  	_ =	shalt  }
0x83: {  	_ =	shalt  }
0x84: {  	_ =	shalt  }
0x85: {  	_ =	shalt  }
0x86: {  	_ =	shalt  }
0x87: {  	_ =	shalt  }
.Lfunc_end0:
.L_simem_size_0:
called_computation.1_lowered:
.L_overlay_start_0:
0x88: {  	s2 =	sld [smem:$0x3FD9]  }
0x89: {  	s3 =	sld [smem:$0x3FFE];
	_ =	sdelay $0x1  }
0x8a: {  	s1 =	srdreg.scid  }
0x8b: {  	s0 =	sand.u32 $0x1, s1  }
0x8c: {  	s14 =	sshll.u32 s0, $0xA;
	s2 =	sadd.s32 s3, s2  }
0x8d: {  	s2 =	sadd.s32 s2, s14  }
0x8e: {  	[smem:$0x3FB6] =	sst s2  }
0x8f: {  	_ = 	snop  }
0x90: {  	s2 =	sld [smem:$0x3FD0];
	_ =	sdelay $0x2  }
0x91: {  	s15 =	simm.s32 $0xA;
	s4 =	simm.s32 $0x10  }
0x92: {  	[smem:s4], [sflag:s15] =	dma.local [hbm:s2], $0x1  }
0x93: {  	_ =	swait.eq [sflag:s15], $0x1  }
0x94: {  	[sflag:s15] =	ssyncset.done $0x0  }
0x95: {  	s16 =	sld [smem:$0x10];
	[sflag:s15] =	ssyncadd.s32 $0xFFFFFFFF  }
0x96: {  	s17 =	sld [smem:$0x11];
	(tm) =	ssettm $0x1  }
0x97: {  	s18 =	sld [smem:$0x3FFB];
	_ =	sdelay $0x3  }
0x98: {  	_ =	strace s18  }
0x99: {  	s4 =	sld [smem:$0x3FFC];
	_ =	sdelay $0x3  }
0x9a: {  	_ =	strace s4  }
0x9b: {  	s4 =	sld [smem:$0x3FFD];
	_ =	sdelay $0x3  }
0x9c: {  	_ =	strace s4  }
0x9d: {  	_ =	strace $0x8FFFFFFF  }
0x9e: {  	s19 =	sld [smem:$0x3FDB];
	_ =	sdelay $0x1  }
0x9f: {  	s5 =	simm.s32 $_scs_section_size  }
0xa0: {  	s6 =	simm.s32 $_size__tile_overlayer_lowered;
	s7 =	simm.s32 $_tile_overlayer_lowered  }
0xa1: {  	s22 =	simm.s32 $0x1BFF;
	s21 =	sshll.u32 s7, $0x1;
	s4 =	sadd.s32 s5, s19  }
0xa2: {  	s8 =	simm.s32 $0x0;
	s20 =	sshll.u32 s6, $0x1;
	s6 =	sadd.s32 s21, s4  }
0xa3: {  	[timem:s8], [sflag:s22] =	dma.local [hbm:s6], s20  }
0xa4: {  	_ =	swait.ge [sflag:s22], s20  }
0xa5: {  	s5 =	ssub.s32 $0x0, s20;
	[sflag:s22] =	ssyncset.done $0x0  }
0xa6: {  	[sflag:s22] =	ssyncadd.s32 s5;
	_ =	sdelay $0x1  }
0xa7: {  	s23 =	simm.s32 $0x1B8B  }
0xa8: {  	_ =	swait.ge [sflag:s23], $0x1  }
0xa9: {  	[sflag:s23] =	ssyncset.done $0x0  }
0xaa: {  	s25 =	simm.s32 $0x1B8E;
	s24 =	sld [smem:$0x3FFE];
	[sflag:s23] =	ssyncadd.s32 $0xFFFFFFFF  }
0xab: {  	s26 =	simm.s32 $execute0_lowered;
	[smem:$0x3FD2] =	sst s25  }
0xac: {  	s6 =	sshll.u32 s26, $0x1;
	_ =	strace $0x80000049;
	[dreg:$0x1] =	wrdreg $0xFFFFFFFF  }
0xad: {  	s28 =	simm.s32 $_size_execute0_lowered;
	s4 =	sadd.s32 s4, s6;
	[dreg:$0x0] =	wrdreg $0x0  }
0xae: {  	s6 =	sshll.u32 s28, $0x1;
	[dreg:$0x2] =	wrdreg s4  }
0xaf: {  	[dreg:$0x3] =	wrdreg s6  }
0xb0: {  	[dreg:$0x4] =	wrdreg $0xC0  }
0xb1: {  	_ =	task [dreg:s8], $0x5FFFF  }
0xb2: {  	[dreg:$0x1] =	wrdreg $0xFFFFFFFF  }
0xb3: {  	[dreg:$0x0] =	wrdreg $0x60  }
0xb4: {  	[dreg:$0x2] =	wrdreg s24  }
0xb5: {  	[dreg:$0x3] =	wrdreg s17  }
0xb6: {  	[dreg:$0x4] =	wrdreg s16  }
0xb7: {  	[dreg:$0x5] =	wrdreg $0x9  }
0xb8: {  	_ =	task.clear_ibuf [dreg:s8], $0x6FFFF;
	_ =	strace $0x90000049  }
0xb9: {  	s29 =	simm.s32 $0x9;
	_ =	strace $0x8000004B  }
0xba: {  	_ =	swait.ge [sflag:s29], $0x1  }
0xbb: {  	[sflag:s29] =	ssyncadd.s32 $0xFFFFFFFF  }
0xbc: {  	_ =	strace $0x9000004B  }
0xbd: {  	_ =	sfence  }
0xbe: {  	s30 =	sld [smem:$0x0];
	_ =	sdelay $0x2  }
0xbf: {  	s31 =	sshll.u32 s1, $0xD;
	s1 =	sshrl.u32 s1, $0x2  }
0xc0: {  	s3 =	sand.u32 $0x4000, s31;
	s1 =	sadd.s32 s1, s30  }
0xc1: {  	s0 =	sor.u32 s3, s0;
	s1 =	sshll.u32 s1, $0x11  }
0xc2: {  	s0 =	sor.u32 s1, s0  }
0xc3: {  	s0 =	sadd.s32 $0x8F2B, s0  }
0xc4: {  	[sflag:s0] =	ssyncadd.remote.s32 $0x1  }
0xc5: {  	_ =	sfence.sel $0xFFFF  }
0xc6: {  	[dreg:$0x0] =	wrdreg $0xFFFFFFFF;
	(pc) =	sbr.abs _section_cstart, $3  }
0xc7: {  	[dreg:$0x1] =	wrdreg $0xFFFFFFFF  }
0xc8: {  	_ =	task.clear_ibuf [dreg:s8], $0x2FFFF;
	_ =	strace $0x9FFFFFFF  }
0xc9: {  	(tm) =	ssettm $0x7FFFFFFF  }
tec
execute0_lowered:
.L_overlay_start_1:
0x0: {  	(tag) =	ssettag $0x1  }
0x1: {  	s3 =	rddreg [dreg:$0x0]  }
0x2: {  	s4 =	rddreg [dreg:$0x1];
	s1 =	srdreg.scid  }
0x3: {  	s0 =	stileid.u32;
	s5 =	rddreg [dreg:$0x2];
	s2 =	simm.s32 $0x0  }
0x4: {  	s9 =	simm.s32 $0x4E20;
	s6 =	sand.u32 $0x1, s1;
	s7 =	sshll.u32 s0, $0x1  }
0x5: {  	s10 =	simm.s32 $0x0;
	s1 =	rddreg [dreg:$0x3];
	s7 =	sor.u32 s6, s7  }
0x6: {  	[smem:$0x7FF] =	sst s2;
	s6 =	ssub.s32 $0x2, s6;
	s7 =	smul.u32 $0x4E2, s7  }
0x7: {  	s3 =	sadd.s32 $0x5000, s3;
	_ =	strace $0x8000004A;
	s8 =	sshrl.u32 s6, $0x1  }
0x8: {  	s6 =	ssub.s32 s6, s8;
	s8 =	simm.s32 $0x2710;
	s4 =	sadd.s32 s4, s7  }
0x9: {  	s5 =	sadd.s32 s5, s7;
	s6 =	smax.u32 s6, $0x1;
	s7 =	simm.s32 $0x1  }
.LBB2_1:
0xa: {  	[tilespmem:s2], [sflag:$0x1] =	stream.linear.gather [hbm4b:s3+s2], $0x2710, $0x38;
	[tilespmem:$0x7530] =	vst v63  }
0xb: {  	_ =	swait.ge [sflag:s7], $0x2710  }
0xc: {  	[sflag:s7] =	ssyncset.done $0x0  }
0xd: {  	[sflag:s7] =	ssyncadd.s32 $0xFFFFD8F0  }
0xe: {  	[tilespmem:s8], [sflag:$0x1] =	stream.linear.gather [hbm4b:s4+s2], $0x2710, $0x38;
	[tilespmem:$0x7530] =	vst v63  }
0xf: {  	_ =	swait.ge [sflag:s7], $0x2710  }
0x10: {  	[sflag:s7] =	ssyncset.done $0x0  }
0x11: {  	s11 =	simm.s32 $0x0;
	[sflag:s7] =	ssyncadd.s32 $0xFFFFD8F0  }
0x12: {  	v0 =	vld [tilespmem:s11+$0x2710];
	_ =	sdelay $0x7  }
0x13: {  	s12 =	simm.s32 $0x10;
	s13 =	simm.s32 $0x80;
	v0 =	vld.idx.msk [tilespmem:v0+s2+$0x0], $0xffff  }
.LBB2_2:
0x14: {  	p0 =	sne.s32 s13, $0x9C00;
	v1 =	vld [tilespmem:s12+$0x2710];
	_ =	sdelay $0x3  }
.Ltmp0:
0x15: {  	(pc) =	sbr.rel @p0 .LBB2_2-.Ltmp0, $2  }
0x16: {  	[tilespmem:s11+$0x4E20] =	vst v0;
	s11 =	smov.u32 s12;
	_ =	sdelay $0x2  }
0x17: {  	s12 =	sshra.s32 s13, $0x2;
	s13 =	sadd.s32 $0x40, s13;
	v0 =	vld.idx.msk [tilespmem:v1+s2+$0x0], $0xffff  }
0x18: {  	v1 =	vld [tilespmem:s12+$0x2710];
	_ =	sdelay $0x6  }
0x19: {  	[tilespmem:s11+$0x4E20] =	vst v0  }
0x1a: {  	v0 =	vld.idx.msk [tilespmem:v1+s2+$0x0], $0xffff;
	_ =	sdelay $0x2  }
0x1b: {  	s10 =	sadd.s32 $0x1, s10  }
0x1c: {  	p0 =	sne.s32 s10, s6  }
.Ltmp1:
0x1d: {  	[tilespmem:s12+$0x4E20] =	vst v0;
	(pc) =	sbr.rel @p0 .LBB2_1-.Ltmp1, $4  }
0x1e: {  	[hbm4b:s5+s2] =	stream.linear.scatter [tilespmem:s9], [sflag:$0x1], $0x2710, $0x38;
	[tilespmem:$0x7530] =	vst v63  }
0x1f: {  	_ =	swait.ge [sflag:s7], $0x2710  }
0x20: {  	[sflag:s7] =	ssyncset.done $0x0  }
0x21: {  	[sflag:s7] =	ssyncadd.s32 $0xFFFFD8F0  }
0x22: {  	_ =	sfence.sel $0x180000  }
0x23: {  	[bflag:$0x0] =	sbarrier.arrive $0xFFFF  }
0x24: {  	p0 =	sne.s32 s0, $0x0;
	_ =	strace $0x9000004A  }
0x25: {  	s0 =	sadd.s32 @!p0 $0x100000, s1;
	[bflag:$0x2] =	sbarrier.arrive $0xFFFF  }
0x26: {  	[sflag:s0] =	ssyncadd.tile.s32 @!p0 $0x1;
	_ =	shalt  }
.Lfunc_end2:
_tile_overlayer_lowered:
.L_overlay_start_2:
0x27: {  	(tag) =	ssettag $0x2  }
0x28: {  	s0 =	rddreg [dreg:$0x0];
	s2 =	stileid.u32  }
0x29: {  	s1 =	rddreg [dreg:$0x1];
	p0 =	sne.s32 s2, $0x0  }
0x2a: {  	s3 =	rddreg [dreg:$0x2];
	[bflag:$0x3] =	sbarrier.arrive $0xFFFF;
	s2 =	simm.s32 @!p0 $0x1C01  }
0x2b: {  	[timem:s3], [sflag:s2] =	dma.local @!p0 [hbm:s0], s1  }
0x2c: {  	s0 =	simm.s32 @!p0 $0x1  }
0x2d: {  	_ =	swait.ge @!p0 [sflag:s0], s1  }
0x2e: {  	s1 =	ssub.s32 @!p0 $0x0, s1;
	[sflag:s0] =	ssyncset.done @!p0 $0x0  }
0x2f: {  	[sflag:s0] =	ssyncadd.s32 @!p0 s1  }
0x30: {  	[bflag:$0x3] =	sbarrier.arrive $0xFFFF  }
0x31: {  	_ =	shalt  }

// kernel: kernel.14.cloned.1.call-start
scs
__scs_entry_jumppad:
0x0: {  	(pc) =	sbr.rel $0x88, $3  }
0x1: {  	(tag) =	ssettag $0x0;
	lr =	simm.s32 $0x1  }
0x2: {  	[smem:$0x3F8F] =	sst lr;
	_ =	strace $0xD0000000  }
0x3: {  	_ = 	snop  }
0x4: {  	_ = 	snop  }
0x5: {  	_ = 	snop  }
0x6: {  	_ = 	snop  }
0x7: {  	_ = 	snop  }
__scs_overlays_trampoline_lowered:
0x8: {  	[smem:$0x3F9E] =	sst s0  }
0x9: {  	[smem:$0x3F9F] =	sst s1  }
0xa: {  	[smem:$0x3FA0] =	sst s2  }
0xb: {  	[smem:$0x3FA1] =	sst s3  }
0xc: {  	[smem:$0x3FA2] =	sst s4  }
0xd: {  	[smem:$0x3FA3] =	sst s5  }
0xe: {  	[smem:$0x3FA4] =	sst s6  }
0xf: {  	[smem:$0x3FA5] =	sst s7  }
0x10: {  	[smem:$0x3FA6] =	sst s8  }
0x11: {  	[smem:$0x3FA7] =	sst s9;
	s0 =	simm.s32 @!p0 $0x0  }
0x12: {  	s1 =	sld [smem:$0x3F8D];
	s0 =	simm.s32 @p0 $0x1  }
0x13: {  	[smem:$0x3FA8] =	sst s0;
	s0 =	simm.s32 @!p1 $0x0  }
0x14: {  	s2 =	sld [smem:$0x3F8C];
	s0 =	simm.s32 @p1 $0x1  }
0x15: {  	[smem:$0x3FA9] =	sst s0;
	s0 =	simm.s32 @!p2 $0x0  }
0x16: {  	s3 =	sld [smem:$0x3FDB];
	s0 =	simm.s32 @p2 $0x1  }
0x17: {  	s4 =	simm.s32 $0x1BF5;
	[smem:$0x3FAB] =	sst s0  }
0x18: {  	s0 =	sld [smem:$0x3F8E];
	_ =	swait.ge [sflag:s4], $0x0  }
0x19: {  	s7 =	sld [smem:$0x3F8F]  }
0x1a: {  	s8 =	sadd.s32 $0xFFFFE003, lr  }
0x1b: {  	s9 =	sadd.s32 $0xFFFFFEF7, lr;
	s5 =	simm.s32 $0xFFFFFFFF;
	p2 =	slt.u32 s8, $0xFFFFF086  }
0x1c: {  	p1 =	slt.u32 s9, $0xF7A;
	s5 =	simm.s32 @!p2 $0x0  }
0x1d: {  	s5 =	simm.s32 @p1 $0x1;
	p0 =	seq.s32 s7, s2  }
0x1e: {  	s7 =	smul.u32 @!p0 $0xF7A, s2;
	p2 =	seq.s32 @!p0 s5, $0x0  }
0x1f: {  	s9 =	smul.u32 $0xF7A, s1;
	s8 =	simm.s32 @!p0 $0x1BF5;
	p2 =	por !p2, p0  }
0x20: {  	[sflag:s8] =	ssyncset.s32 @!p0 $0xFFFFF086;
	s6 =	sadd.s32 @!p0 s3, s7;
	s7 =	simm.s32 @!p0 $0x108  }
0x21: {  	s3 =	sadd.s32 s3, s9;
	s6 =	sadd.s32 @!p0 $0x88, s6;
	s7 =	simm.s32 @p2 $0x1082  }
0x22: {  	[simem:s7], [sflag:s8] =	dma.local @!p0 [hbm:s6], $0xF7A  }
0x23: {  	s9 =	sor.u32 $0xD0000000, s2;
	s6 =	simm.s32 $0x108;
	_ =	swait.ge @!p0 [sflag:s8], $0x0  }
0x24: {  	s3 =	sadd.s32 $0x88, s3;
	s6 =	simm.s32 @!p1 $0x1082;
	[sflag:s4] =	ssyncset.s32 $0xFFFFF086  }
0x25: {  	[simem:s6], [sflag:s4] =	dma.local [hbm:s3], $0xF7A  }
0x26: {  	[smem:$0x3F8F] =	sst s1;
	(tag) =	ssettag s2;
	_ =	strace s9  }
0x27: {  	s1 =	sld [smem:$0x3F9F]  }
0x28: {  	s2 =	sld [smem:$0x3FA0]  }
0x29: {  	s4 =	sld [smem:$0x3FA2]  }
0x2a: {  	p0 =	seq.s32 s5, $0x0;
	s5 =	sld [smem:$0x3FA3]  }
0x2b: {  	s6 =	sld [smem:$0x3FA4]  }
0x2c: {  	s7 =	sld [smem:$0x3FA5]  }
0x2d: {  	s3 =	simm.s32 $0x108;
	s8 =	sld [smem:$0x3FA6]  }
0x2e: {  	s3 =	simm.s32 @!p0 $0x1082;
	s9 =	sld [smem:$0x3FA7]  }
0x2f: {  	lr =	sadd.s32 s0, s3;
	s0 =	sld [smem:$0x3F9E]  }
0x30: {  	s3 =	sld [smem:$0x3FA1]  }
0x31: {  	[smem:$0x3FAA] =	sst s10  }
0x32: {  	s10 =	sld [smem:$0x3FA8];
	_ =	sdelay $0x3  }
0x33: {  	p0 =	seq.s32 s10, $0x1;
	s10 =	sld [smem:$0x3FAA];
	_ =	sdelay $0x3  }
0x34: {  	[smem:$0x3FAA] =	sst s10  }
0x35: {  	s10 =	sld [smem:$0x3FA9];
	_ =	sdelay $0x3  }
0x36: {  	p1 =	seq.s32 s10, $0x1;
	s10 =	sld [smem:$0x3FAA];
	_ =	sdelay $0x3  }
0x37: {  	[smem:$0x3FAA] =	sst s10  }
0x38: {  	s10 =	sld [smem:$0x3FAB]  }
0x39: {  	_ = 	snop;
	(pc) =	sbr.ind lr, $3  }
0x3a: {  	_ = 	snop  }
0x3b: {  	_ = 	snop  }
0x3c: {  	p2 =	seq.s32 s10, $0x1;
	s10 =	sld [smem:$0x3FAA]  }
0x3d: {  	_ =	shalt  }
0x3e: {  	_ =	shalt  }
0x3f: {  	_ =	shalt  }
0x40: {  	_ =	shalt  }
0x41: {  	_ =	shalt  }
0x42: {  	_ =	shalt  }
0x43: {  	_ =	shalt  }
0x44: {  	_ =	shalt  }
0x45: {  	_ =	shalt  }
0x46: {  	_ =	shalt  }
0x47: {  	_ =	shalt  }
0x48: {  	_ =	shalt  }
0x49: {  	_ =	shalt  }
0x4a: {  	_ =	shalt  }
0x4b: {  	_ =	shalt  }
0x4c: {  	_ =	shalt  }
0x4d: {  	_ =	shalt  }
0x4e: {  	_ =	shalt  }
0x4f: {  	_ =	shalt  }
0x50: {  	_ =	shalt  }
0x51: {  	_ =	shalt  }
0x52: {  	_ =	shalt  }
0x53: {  	_ =	shalt  }
0x54: {  	_ =	shalt  }
0x55: {  	_ =	shalt  }
0x56: {  	_ =	shalt  }
0x57: {  	_ =	shalt  }
0x58: {  	_ =	shalt  }
0x59: {  	_ =	shalt  }
0x5a: {  	_ =	shalt  }
0x5b: {  	_ =	shalt  }
0x5c: {  	_ =	shalt  }
0x5d: {  	_ =	shalt  }
0x5e: {  	_ =	shalt  }
0x5f: {  	_ =	shalt  }
0x60: {  	_ =	shalt  }
0x61: {  	_ =	shalt  }
0x62: {  	_ =	shalt  }
0x63: {  	_ =	shalt  }
0x64: {  	_ =	shalt  }
0x65: {  	_ =	shalt  }
0x66: {  	_ =	shalt  }
0x67: {  	_ =	shalt  }
0x68: {  	_ =	shalt  }
0x69: {  	_ =	shalt  }
0x6a: {  	_ =	shalt  }
0x6b: {  	_ =	shalt  }
0x6c: {  	_ =	shalt  }
0x6d: {  	_ =	shalt  }
0x6e: {  	_ =	shalt  }
0x6f: {  	_ =	shalt  }
0x70: {  	_ =	shalt  }
0x71: {  	_ =	shalt  }
0x72: {  	_ =	shalt  }
0x73: {  	_ =	shalt  }
0x74: {  	_ =	shalt  }
0x75: {  	_ =	shalt  }
0x76: {  	_ =	shalt  }
0x77: {  	_ =	shalt  }
0x78: {  	_ =	shalt  }
0x79: {  	_ =	shalt  }
0x7a: {  	_ =	shalt  }
0x7b: {  	_ =	shalt  }
0x7c: {  	_ =	shalt  }
0x7d: {  	_ =	shalt  }
0x7e: {  	_ =	shalt  }
0x7f: {  	_ =	shalt  }
0x80: {  	_ =	shalt  }
0x81: {  	_ =	shalt  }
0x82: {  	_ =	shalt  }
0x83: {  	_ =	shalt  }
0x84: {  	_ =	shalt  }
0x85: {  	_ =	shalt  }
0x86: {  	_ =	shalt  }
0x87: {  	_ =	shalt  }
.Lfunc_end0:
.L_simem_size_0:
called_computation.2_lowered:
.L_overlay_start_0:
0x88: {  	s2 =	sld [smem:$0x3FD9]  }
0x89: {  	s3 =	sld [smem:$0x3FFE];
	_ =	sdelay $0x1  }
0x8a: {  	s1 =	srdreg.scid  }
0x8b: {  	s0 =	sand.u32 $0x1, s1  }
0x8c: {  	s14 =	sshll.u32 s0, $0xA;
	s2 =	sadd.s32 s3, s2  }
0x8d: {  	s2 =	sadd.s32 s2, s14  }
0x8e: {  	[smem:$0x3FB6] =	sst s2  }
0x8f: {  	_ = 	snop  }
0x90: {  	s2 =	sld [smem:$0x3FD0];
	_ =	sdelay $0x2  }
0x91: {  	s15 =	simm.s32 $0xA;
	s4 =	simm.s32 $0x10  }
0x92: {  	[smem:s4], [sflag:s15] =	dma.local [hbm:s2], $0x1  }
0x93: {  	_ =	swait.eq [sflag:s15], $0x1  }
0x94: {  	[sflag:s15] =	ssyncset.done $0x0  }
0x95: {  	[sflag:s15] =	ssyncadd.s32 $0xFFFFFFFF  }
0x96: {  	s16 =	sld [smem:$0x10];
	(tm) =	ssettm $0x1  }
0x97: {  	s17 =	sld [smem:$0x3FFB];
	_ =	sdelay $0x3  }
0x98: {  	_ =	strace s17  }
0x99: {  	s3 =	sld [smem:$0x3FFC];
	_ =	sdelay $0x3  }
0x9a: {  	_ =	strace s3  }
0x9b: {  	s3 =	sld [smem:$0x3FFD];
	_ =	sdelay $0x3  }
0x9c: {  	_ =	strace s3  }
0x9d: {  	_ =	strace $0x8FFFFFFF  }
0x9e: {  	s18 =	sld [smem:$0x3FDB];
	_ =	sdelay $0x1  }
0x9f: {  	s19 =	simm.s32 $_scs_section_size  }
0xa0: {  	s5 =	simm.s32 $_size__tile_overlayer_lowered;
	s6 =	simm.s32 $_tile_overlayer_lowered  }
0xa1: {  	s22 =	simm.s32 $0x1BFF;
	s21 =	sshll.u32 s6, $0x1;
	s3 =	sadd.s32 s19, s18  }
0xa2: {  	s7 =	simm.s32 $0x0;
	s20 =	sshll.u32 s5, $0x1;
	s5 =	sadd.s32 s21, s3  }
0xa3: {  	[timem:s7], [sflag:s22] =	dma.local [hbm:s5], s20  }
0xa4: {  	_ =	swait.ge [sflag:s22], s20  }
0xa5: {  	s4 =	ssub.s32 $0x0, s20;
	[sflag:s22] =	ssyncset.done $0x0  }
0xa6: {  	[sflag:s22] =	ssyncadd.s32 s4;
	_ =	sdelay $0x1  }
0xa7: {  	s23 =	simm.s32 $0x1B8B  }
0xa8: {  	_ =	swait.ge [sflag:s23], $0x1  }
0xa9: {  	[sflag:s23] =	ssyncset.done $0x0  }
0xaa: {  	s25 =	simm.s32 $0x1B8E;
	s24 =	sld [smem:$0x3FFE];
	[sflag:s23] =	ssyncadd.s32 $0xFFFFFFFF  }
0xab: {  	s26 =	simm.s32 $execute0_lowered;
	[smem:$0x3FD2] =	sst s25  }
0xac: {  	s5 =	sshll.u32 s26, $0x1;
	_ =	strace $0x8000004C;
	[dreg:$0x1] =	wrdreg $0xFFFFFFFF  }
0xad: {  	s28 =	simm.s32 $_size_execute0_lowered;
	s3 =	sadd.s32 s3, s5;
	[dreg:$0x0] =	wrdreg $0x0  }
0xae: {  	s5 =	sshll.u32 s28, $0x1;
	[dreg:$0x2] =	wrdreg s3  }
0xaf: {  	[dreg:$0x3] =	wrdreg s5  }
0xb0: {  	[dreg:$0x4] =	wrdreg $0xC0  }
0xb1: {  	_ =	task [dreg:s7], $0x5FFFF  }
0xb2: {  	[dreg:$0x1] =	wrdreg $0xFFFFFFFF  }
0xb3: {  	[dreg:$0x0] =	wrdreg $0x60  }
0xb4: {  	[dreg:$0x2] =	wrdreg s24  }
0xb5: {  	[dreg:$0x3] =	wrdreg s16  }
0xb6: {  	[dreg:$0x4] =	wrdreg $0x40100  }
0xb7: {  	[dreg:$0x5] =	wrdreg $0x178900  }
0xb8: {  	[dreg:$0x6] =	wrdreg $0x9  }
0xb9: {  	_ =	task.clear_ibuf [dreg:s7], $0x7FFFF;
	_ =	strace $0x9000004C  }
0xba: {  	s29 =	simm.s32 $0x9;
	_ =	strace $0x8000004E  }
0xbb: {  	_ =	swait.ge [sflag:s29], $0x1  }
0xbc: {  	[sflag:s29] =	ssyncadd.s32 $0xFFFFFFFF  }
0xbd: {  	_ =	strace $0x9000004E  }
0xbe: {  	_ =	sfence  }
0xbf: {  	s30 =	sld [smem:$0x0];
	_ =	sdelay $0x2  }
0xc0: {  	s31 =	sshll.u32 s1, $0xD;
	s1 =	sshrl.u32 s1, $0x2  }
0xc1: {  	s3 =	sand.u32 $0x4000, s31;
	s1 =	sadd.s32 s1, s30  }
0xc2: {  	s0 =	sor.u32 s3, s0;
	s1 =	sshll.u32 s1, $0x11  }
0xc3: {  	s0 =	sor.u32 s1, s0  }
0xc4: {  	s0 =	sadd.s32 $0x8F2B, s0  }
0xc5: {  	[sflag:s0] =	ssyncadd.remote.s32 $0x1  }
0xc6: {  	_ =	sfence.sel $0xFFFF  }
0xc7: {  	[dreg:$0x0] =	wrdreg $0xFFFFFFFF;
	(pc) =	sbr.abs _section_cstart, $3  }
0xc8: {  	[dreg:$0x1] =	wrdreg $0xFFFFFFFF  }
0xc9: {  	_ =	task.clear_ibuf [dreg:s7], $0x2FFFF;
	_ =	strace $0x9FFFFFFF  }
0xca: {  	(tm) =	ssettm $0x7FFFFFFF  }
0xcb: {  	_ =	shalt  }
tec
execute0_lowered:
.L_overlay_start_1:
0x0: {  	(tag) =	ssettag $0x1  }
0x1: {  	s5 =	rddreg [dreg:$0x0]  }
0x2: {  	s6 =	rddreg [dreg:$0x1];
	s0 =	stileid.u32  }
0x3: {  	s1 =	rddreg [dreg:$0x2];
	s7 =	smul.u32 $0x4E200, s0  }
0x4: {  	s2 =	srdreg.scid;
	s8 =	smul.u32 $0x13880, s0  }
0x5: {  	s3 =	rddreg [dreg:$0x3];
	s9 =	sand.u32 $0x1, s2;
	s11 =	smul.u32 $0x4E20, s0  }
0x6: {  	s4 =	simm.s32 $0x0;
	s2 =	rddreg [dreg:$0x4];
	s23 =	smul.u32 $0x138800, s9  }
0x7: {  	s22 =	sshll.u32 s0, $0x1;
	[smem:$0x7FF] =	sst s4;
	s14 =	smul.u32 $0x4E200, s9  }
0x8: {  	s29 =	sshll.u32 s0, $0x6;
	s10 =	sor.u32 s9, s22;
	s30 =	smul.u32 $0x9C40, s9  }
0x9: {  	_ =	strace $0x8000004D;
	s25 =	ssub.s32 $0x2, s9;
	s19 =	smul.u32 $0x27100, s9  }
0xa: {  	s10 =	smul.u32 $0x2710, s10;
	s12 =	sadd.s32 s7, s5;
	s13 =	sadd.s32 s8, s5  }
0xb: {  	s15 =	sshrl.u32 s11, $0x3;
	s26 =	sshrl.u32 s25, $0x1;
	s28 =	sshrl.u32 s8, $0x3  }
0xc: {  	s18 =	sadd.s32 s8, s1;
	s20 =	sadd.s32 s11, s3;
	s7 =	sadd.s32 s8, s23  }
0xd: {  	s15 =	sadd.s32 s15, s5;
	s14 =	sadd.s32 s11, s14;
	s13 =	sadd.s32 s30, s13  }
0xe: {  	s31 =	sadd.s32 s19, s12;
	s19 =	simm.s32 $0x28;
	s10 =	sshrl.u32 s10, $0x3  }
0xf: {  	s7 =	sshrl.u32 s7, $0x3;
	s24 =	sshrl.u32 s14, $0x3;
	s14 =	ssub.s32 s25, s26  }
0x10: {  	s12 =	sadd.s32 $0x1882C00, s13;
	s13 =	sadd.s32 $0x2728C00, s31;
	s10 =	sadd.s32 s10, s5  }
0x11: {  	s16 =	sadd.s32 s7, s5;
	s17 =	sadd.s32 s24, s5;
	s5 =	sadd.s32 s6, s28  }
0x12: {  	s6 =	sadd.s32 $0x19BB400, s15;
	s7 =	sor.u32 $0x1C01, s29;
	s11 =	smax.u32 s14, $0x1  }
0x13: {  	s14 =	sshrl.u32 s18, $0x3;
	s18 =	simm.s32 $0x3B10;
	s8 =	sadd.s32 $0x1878E00, s10  }
0x14: {  	s15 =	simm.s32 $0x1;
	s9 =	sadd.s32 $0x19D8C00, s16;
	s10 =	sadd.s32 $0x19C5200, s17  }
0x15: {  	s16 =	sshrl.u32 s20, $0x3;
	s17 =	simm.s32 $0x2710;
	s20 =	simm.s32 $0x0  }
.LBB2_1:
0x16: {  	[spmem:s14], [sflag:s7] =	dma.local [hbm:s5], $0x2710  }
0x17: {  	_ =	swait.ge [sflag:s15], $0x2710  }
0x18: {  	[sflag:s15] =	ssyncset.done $0x0  }
0x19: {  	[sflag:s15] =	ssyncadd.s32 $0xFFFFD8F0  }
0x1a: {  	[spmem:s16], [sflag:s7] =	dma.local [hbm:s6], $0x9C4  }
0x1b: {  	_ =	swait.ge [sflag:s15], $0x9C4  }
0x1c: {  	[sflag:s15] =	ssyncset.done $0x0  }
0x1d: {  	[sflag:s15] =	ssyncadd.s32 $0xFFFFF63C  }
0x1e: {  	[tilespmem:s4], [sflag:$0x1] =	stream.linear.gather [hbm4b:s8+s4], $0x2710, $0x38;
	[tilespmem:$0x1C6B0] =	vst v63  }
0x1f: {  	_ =	swait.ge [sflag:s15], $0x2710  }
0x20: {  	[sflag:s15] =	ssyncset.done $0x0  }
0x21: {  	[sflag:s15] =	ssyncadd.s32 $0xFFFFD8F0  }
0x22: {  	[bflag:$0x0] =	sbarrier.arrive $0xFFFF  }
0x23: {  	[tilespmem:s17], [sflag:$0x1] =	stream.linear.gather [hbm4b:s13+s4], $0x1400, $0x38;
	[tilespmem:$0x1C6B0] =	vst v63  }
0x24: {  	_ =	swait.ge [sflag:s15], $0x1400  }
0x25: {  	[sflag:s15] =	ssyncset.done $0x0  }
0x26: {  	s21 =	sadd.s32 $0x0, s12;
	[sflag:s15] =	ssyncadd.s32 $0xFFFFEC00  }
0x27: {  	[tilespmem:s18], [sflag:$0x1] =	stream.linear.gather [hbm4b:s21+s4], $0x500, $0x38;
	[tilespmem:$0x1C6B0] =	vst v63  }
0x28: {  	_ =	swait.ge [sflag:s15], $0x500  }
0x29: {  	[sflag:s15] =	ssyncset.done $0x0  }
0x2a: {  	s31 =	simm.s32 $0x0;
	[sflag:s15] =	ssyncadd.s32 $0xFFFFFB00  }
0x2b: {  	[spmem:s1] =	stream.indirect.scatter.add.f32 [tilespmem:s17], [sflag:$0x1], $0x80, s31, s19, $0xb8;
	[tilespmem:$0x1C6B0] =	vst v63  }
0x2c: {  	_ =	swait.ge [sflag:s15], $0x1400  }
0x2d: {  	[sflag:s15] =	ssyncset.done $0x0  }
0x2e: {  	[sflag:s15] =	ssyncadd.s32 $0xFFFFEC00  }
0x2f: {  	[spmem:s3] =	stream.indirect.scatter.add.f32 [tilespmem:s18], [sflag:$0x1], $0x20, s31, s19, $0xb8;
	[tilespmem:$0x1C6B0] =	vst v63  }
0x30: {  	_ =	swait.ge [sflag:s15], $0x500  }
0x31: {  	s22 =	smov.u32 s13;
	s21 =	simm.s32 $0xA0;
	[sflag:s15] =	ssyncset.done $0x0  }
.LBB2_2:
0x32: {  	p0 =	sne.s32 s21, $0x9BA0;
	[sflag:s15] =	ssyncadd.s32 $0xFFFFFB00;
	s22 =	sadd.s32 $0x280, s22  }
0x33: {  	[tilespmem:s17], [sflag:$0x1] =	stream.linear.gather [hbm4b:s22+s4], $0x1400, $0x38;
	[tilespmem:$0x1C6B0] =	vst v63  }
0x34: {  	s23 =	smov.u32 s21;
	s21 =	sadd.s32 $0xA0, s21;
	_ =	swait.ge [sflag:s15], $0x1400  }
0x35: {  	[sflag:s15] =	ssyncset.done $0x0  }
0x36: {  	s24 =	sadd.s32 s23, s12;
	[sflag:s15] =	ssyncadd.s32 $0xFFFFEC00  }
0x37: {  	[tilespmem:s18], [sflag:$0x1] =	stream.linear.gather [hbm4b:s24+s4], $0x500, $0x38;
	[tilespmem:$0x1C6B0] =	vst v63  }
0x38: {  	_ =	swait.ge [sflag:s15], $0x500  }
0x39: {  	[sflag:s15] =	ssyncset.done $0x0  }
0x3a: {  	s23 =	sshra.s32 s23, $0x2;
	[sflag:s15] =	ssyncadd.s32 $0xFFFFFB00  }
0x3b: {  	[spmem:s1] =	stream.indirect.scatter.add.f32 [tilespmem:s17], [sflag:$0x1], $0x80, s23, s19, $0xb8;
	[tilespmem:$0x1C6B0] =	vst v63  }
0x3c: {  	_ =	swait.ge [sflag:s15], $0x1400  }
.Ltmp0:
0x3d: {  	[sflag:s15] =	ssyncset.done $0x0;
	(pc) =	sbr.rel @p0 .LBB2_2-.Ltmp0, $4  }
0x3e: {  	[sflag:s15] =	ssyncadd.s32 $0xFFFFEC00  }
0x3f: {  	[spmem:s3] =	stream.indirect.scatter.add.f32 [tilespmem:s18], [sflag:$0x1], $0x20, s23, s19, $0xb8;
	[tilespmem:$0x1C6B0] =	vst v63  }
0x40: {  	_ =	swait.ge [sflag:s15], $0x500  }
0x41: {  	[sflag:s15] =	ssyncset.done $0x0  }
0x42: {  	[sflag:s15] =	ssyncadd.s32 $0xFFFFFB00  }
0x43: {  	[bflag:$0x0] =	sbarrier.arrive $0xFFFF  }
0x44: {  	[hbm:s9], [sflag:s7] =	dma.local [spmem:s14], $0x2710  }
0x45: {  	s20 =	sadd.s32 $0x1, s20;
	_ =	swait.ge [sflag:s15], $0x2710  }
0x46: {  	p0 =	sne.s32 s20, s11;
	[sflag:s15] =	ssyncset.done $0x0  }
.Ltmp1:
0x47: {  	[sflag:s15] =	ssyncadd.s32 $0xFFFFD8F0;
	(pc) =	sbr.rel @p0 .LBB2_1-.Ltmp1, $4  }
0x48: {  	[hbm:s10], [sflag:s7] =	dma.local [spmem:s16], $0x9C4  }
0x49: {  	_ =	swait.ge [sflag:s15], $0x9C4  }
0x4a: {  	[sflag:s15] =	ssyncset.done $0x0  }
0x4b: {  	[sflag:s15] =	ssyncadd.s32 $0xFFFFF63C  }
0x4c: {  	_ =	sfence.sel $0x180000  }
0x4d: {  	[bflag:$0x0] =	sbarrier.arrive $0xFFFF  }
0x4e: {  	p0 =	sne.s32 s0, $0x0;
	_ =	strace $0x9000004D  }
0x4f: {  	s0 =	sadd.s32 @!p0 $0x100000, s2;
	[bflag:$0x2] =	sbarrier.arrive $0xFFFF  }
0x50: {  	[sflag:s0] =	ssyncadd.tile.s32 @!p0 $0x1;
	_ =	shalt  }
.Lfunc_end2:
_tile_overlayer_lowered:
.L_overlay_start_2:
0x51: {  	(tag) =	ssettag $0x2  }
0x52: {  	s0 =	rddreg [dreg:$0x0];
	s2 =	stileid.u32  }
0x53: {  	s1 =	rddreg [dreg:$0x1];
	p0 =	sne.s32 s2, $0x0  }
0x54: {  	s3 =	rddreg [dreg:$0x2];
	[bflag:$0x3] =	sbarrier.arrive $0xFFFF;
	s2 =	simm.s32 @!p0 $0x1C01  }
0x55: {  	[timem:s3], [sflag:s2] =	dma.local @!p0 [hbm:s0], s1  }
0x56: {  	s0 =	simm.s32 @!p0 $0x1  }
0x57: {  	_ =	swait.ge @!p0 [sflag:s0], s1  }
0x58: {  	s1 =	ssub.s32 @!p0 $0x0, s1;
	[sflag:s0] =	ssyncset.done @!p0 $0x0  }
0x59: {  	[sflag:s0] =	ssyncadd.s32 @!p0 s1  }
0x5a: {  	[bflag:$0x3] =	sbarrier.arrive $0xFFFF  }
0x5b: {  	_ =	shalt  }

// kernel: kernel.8.cloned.1.call-start
scs
__scs_entry_jumppad:
0x0: {  	(pc) =	sbr.rel $0x88, $3  }
0x1: {  	(tag) =	ssettag $0x0;
	lr =	simm.s32 $0x1  }
0x2: {  	[smem:$0x3F8F] =	sst lr;
	_ =	strace $0xD0000000  }
0x3: {  	_ = 	snop  }
0x4: {  	_ = 	snop  }
0x5: {  	_ = 	snop  }
0x6: {  	_ = 	snop  }
0x7: {  	_ = 	snop  }
__scs_overlays_trampoline_lowered:
0x8: {  	[smem:$0x3F9E] =	sst s0  }
0x9: {  	[smem:$0x3F9F] =	sst s1  }
0xa: {  	[smem:$0x3FA0] =	sst s2  }
0xb: {  	[smem:$0x3FA1] =	sst s3  }
0xc: {  	[smem:$0x3FA2] =	sst s4  }
0xd: {  	[smem:$0x3FA3] =	sst s5  }
0xe: {  	[smem:$0x3FA4] =	sst s6  }
0xf: {  	[smem:$0x3FA5] =	sst s7  }
0x10: {  	[smem:$0x3FA6] =	sst s8  }
0x11: {  	[smem:$0x3FA7] =	sst s9;
	s0 =	simm.s32 @!p0 $0x0  }
0x12: {  	s1 =	sld [smem:$0x3F8D];
	s0 =	simm.s32 @p0 $0x1  }
0x13: {  	[smem:$0x3FA8] =	sst s0;
	s0 =	simm.s32 @!p1 $0x0  }
0x14: {  	s2 =	sld [smem:$0x3F8C];
	s0 =	simm.s32 @p1 $0x1  }
0x15: {  	[smem:$0x3FA9] =	sst s0;
	s0 =	simm.s32 @!p2 $0x0  }
0x16: {  	s3 =	sld [smem:$0x3FDB];
	s0 =	simm.s32 @p2 $0x1  }
0x17: {  	s4 =	simm.s32 $0x1BF5;
	[smem:$0x3FAB] =	sst s0  }
0x18: {  	s0 =	sld [smem:$0x3F8E];
	_ =	swait.ge [sflag:s4], $0x0  }
0x19: {  	s7 =	sld [smem:$0x3F8F]  }
0x1a: {  	s8 =	sadd.s32 $0xFFFFE003, lr  }
0x1b: {  	s9 =	sadd.s32 $0xFFFFFEF7, lr;
	s5 =	simm.s32 $0xFFFFFFFF;
	p2 =	slt.u32 s8, $0xFFFFF086  }
0x1c: {  	p1 =	slt.u32 s9, $0xF7A;
	s5 =	simm.s32 @!p2 $0x0  }
0x1d: {  	s5 =	simm.s32 @p1 $0x1;
	p0 =	seq.s32 s7, s2  }
0x1e: {  	s7 =	smul.u32 @!p0 $0xF7A, s2;
	p2 =	seq.s32 @!p0 s5, $0x0  }
0x1f: {  	s9 =	smul.u32 $0xF7A, s1;
	s8 =	simm.s32 @!p0 $0x1BF5;
	p2 =	por !p2, p0  }
0x20: {  	[sflag:s8] =	ssyncset.s32 @!p0 $0xFFFFF086;
	s6 =	sadd.s32 @!p0 s3, s7;
	s7 =	simm.s32 @!p0 $0x108  }
0x21: {  	s3 =	sadd.s32 s3, s9;
	s6 =	sadd.s32 @!p0 $0x88, s6;
	s7 =	simm.s32 @p2 $0x1082  }
0x22: {  	[simem:s7], [sflag:s8] =	dma.local @!p0 [hbm:s6], $0xF7A  }
0x23: {  	s9 =	sor.u32 $0xD0000000, s2;
	s6 =	simm.s32 $0x108;
	_ =	swait.ge @!p0 [sflag:s8], $0x0  }
0x24: {  	s3 =	sadd.s32 $0x88, s3;
	s6 =	simm.s32 @!p1 $0x1082;
	[sflag:s4] =	ssyncset.s32 $0xFFFFF086  }
0x25: {  	[simem:s6], [sflag:s4] =	dma.local [hbm:s3], $0xF7A  }
0x26: {  	[smem:$0x3F8F] =	sst s1;
	(tag) =	ssettag s2;
	_ =	strace s9  }
0x27: {  	s1 =	sld [smem:$0x3F9F]  }
0x28: {  	s2 =	sld [smem:$0x3FA0]  }
0x29: {  	s4 =	sld [smem:$0x3FA2]  }
0x2a: {  	p0 =	seq.s32 s5, $0x0;
	s5 =	sld [smem:$0x3FA3]  }
0x2b: {  	s6 =	sld [smem:$0x3FA4]  }
0x2c: {  	s7 =	sld [smem:$0x3FA5]  }
0x2d: {  	s3 =	simm.s32 $0x108;
	s8 =	sld [smem:$0x3FA6]  }
0x2e: {  	s3 =	simm.s32 @!p0 $0x1082;
	s9 =	sld [smem:$0x3FA7]  }
0x2f: {  	lr =	sadd.s32 s0, s3;
	s0 =	sld [smem:$0x3F9E]  }
0x30: {  	s3 =	sld [smem:$0x3FA1]  }
0x31: {  	[smem:$0x3FAA] =	sst s10  }
0x32: {  	s10 =	sld [smem:$0x3FA8];
	_ =	sdelay $0x3  }
0x33: {  	p0 =	seq.s32 s10, $0x1;
	s10 =	sld [smem:$0x3FAA];
	_ =	sdelay $0x3  }
0x34: {  	[smem:$0x3FAA] =	sst s10  }
0x35: {  	s10 =	sld [smem:$0x3FA9];
	_ =	sdelay $0x3  }
0x36: {  	p1 =	seq.s32 s10, $0x1;
	s10 =	sld [smem:$0x3FAA];
	_ =	sdelay $0x3  }
0x37: {  	[smem:$0x3FAA] =	sst s10  }
0x38: {  	s10 =	sld [smem:$0x3FAB]  }
0x39: {  	_ = 	snop;
	(pc) =	sbr.ind lr, $3  }
0x3a: {  	_ = 	snop  }
0x3b: {  	_ = 	snop  }
0x3c: {  	p2 =	seq.s32 s10, $0x1;
	s10 =	sld [smem:$0x3FAA]  }
0x3d: {  	_ =	shalt  }
0x3e: {  	_ =	shalt  }
0x3f: {  	_ =	shalt  }
0x40: {  	_ =	shalt  }
0x41: {  	_ =	shalt  }
0x42: {  	_ =	shalt  }
0x43: {  	_ =	shalt  }
0x44: {  	_ =	shalt  }
0x45: {  	_ =	shalt  }
0x46: {  	_ =	shalt  }
0x47: {  	_ =	shalt  }
0x48: {  	_ =	shalt  }
0x49: {  	_ =	shalt  }
0x4a: {  	_ =	shalt  }
0x4b: {  	_ =	shalt  }
0x4c: {  	_ =	shalt  }
0x4d: {  	_ =	shalt  }
0x4e: {  	_ =	shalt  }
0x4f: {  	_ =	shalt  }
0x50: {  	_ =	shalt  }
0x51: {  	_ =	shalt  }
0x52: {  	_ =	shalt  }
0x53: {  	_ =	shalt  }
0x54: {  	_ =	shalt  }
0x55: {  	_ =	shalt  }
0x56: {  	_ =	shalt  }
0x57: {  	_ =	shalt  }
0x58: {  	_ =	shalt  }
0x59: {  	_ =	shalt  }
0x5a: {  	_ =	shalt  }
0x5b: {  	_ =	shalt  }
0x5c: {  	_ =	shalt  }
0x5d: {  	_ =	shalt  }
0x5e: {  	_ =	shalt  }
0x5f: {  	_ =	shalt  }
0x60: {  	_ =	shalt  }
0x61: {  	_ =	shalt  }
0x62: {  	_ =	shalt  }
0x63: {  	_ =	shalt  }
0x64: {  	_ =	shalt  }
0x65: {  	_ =	shalt  }
0x66: {  	_ =	shalt  }
0x67: {  	_ =	shalt  }
0x68: {  	_ =	shalt  }
0x69: {  	_ =	shalt  }
0x6a: {  	_ =	shalt  }
0x6b: {  	_ =	shalt  }
0x6c: {  	_ =	shalt  }
0x6d: {  	_ =	shalt  }
0x6e: {  	_ =	shalt  }
0x6f: {  	_ =	shalt  }
0x70: {  	_ =	shalt  }
0x71: {  	_ =	shalt  }
0x72: {  	_ =	shalt  }
0x73: {  	_ =	shalt  }
0x74: {  	_ =	shalt  }
0x75: {  	_ =	shalt  }
0x76: {  	_ =	shalt  }
0x77: {  	_ =	shalt  }
0x78: {  	_ =	shalt  }
0x79: {  	_ =	shalt  }
0x7a: {  	_ =	shalt  }
0x7b: {  	_ =	shalt  }
0x7c: {  	_ =	shalt  }
0x7d: {  	_ =	shalt  }
0x7e: {  	_ =	shalt  }
0x7f: {  	_ =	shalt  }
0x80: {  	_ =	shalt  }
0x81: {  	_ =	shalt  }
0x82: {  	_ =	shalt  }
0x83: {  	_ =	shalt  }
0x84: {  	_ =	shalt  }
0x85: {  	_ =	shalt  }
0x86: {  	_ =	shalt  }
0x87: {  	_ =	shalt  }
.Lfunc_end0:
.L_simem_size_0:
called_computation_lowered:
.L_overlay_start_0:
0x88: {  	s2 =	sld [smem:$0x3FD9]  }
0x89: {  	s3 =	sld [smem:$0x3FFE];
	_ =	sdelay $0x1  }
0x8a: {  	s1 =	srdreg.scid  }
0x8b: {  	s0 =	sand.u32 $0x1, s1  }
0x8c: {  	s14 =	sshll.u32 s0, $0xA;
	s2 =	sadd.s32 s3, s2  }
0x8d: {  	s2 =	sadd.s32 s2, s14  }
0x8e: {  	[smem:$0x3FB6] =	sst s2  }
0x8f: {  	_ = 	snop  }
0x90: {  	s2 =	sld [smem:$0x3FD0];
	_ =	sdelay $0x2  }
0x91: {  	s4 =	simm.s32 $0xA;
	s5 =	simm.s32 $0x10;
	s15 =	sld [smem:$0x3FC9]  }
0x92: {  	[smem:s5], [sflag:s4] =	dma.local [hbm:s2], $0x1  }
0x93: {  	_ =	swait.eq [sflag:s4], $0x1  }
0x94: {  	[sflag:s4] =	ssyncset.done $0x0  }
0x95: {  	s16 =	sld [smem:$0x10];
	[sflag:s4] =	ssyncadd.s32 $0xFFFFFFFF  }
0x96: {  	s17 =	sld [smem:$0x11];
	(tm) =	ssettm $0x1  }
0x97: {  	s18 =	sld [smem:$0x3FFB];
	_ =	sdelay $0x3  }
0x98: {  	_ =	strace s18  }
0x99: {  	s5 =	sld [smem:$0x3FFC];
	_ =	sdelay $0x3  }
0x9a: {  	_ =	strace s5  }
0x9b: {  	s5 =	sld [smem:$0x3FFD];
	_ =	sdelay $0x3  }
0x9c: {  	_ =	strace s5  }
0x9d: {  	_ =	strace $0x8FFFFFFF  }
0x9e: {  	s19 =	sld [smem:$0x3FDB];
	_ =	sdelay $0x1  }
0x9f: {  	s6 =	simm.s32 $_scs_section_size  }
0xa0: {  	s7 =	simm.s32 $_size__tile_overlayer_lowered;
	s8 =	simm.s32 $_tile_overlayer_lowered  }
0xa1: {  	s22 =	simm.s32 $0x1BFF;
	s21 =	sshll.u32 s8, $0x1;
	s5 =	sadd.s32 s6, s19  }
0xa2: {  	s9 =	simm.s32 $0x0;
	s20 =	sshll.u32 s7, $0x1;
	s7 =	sadd.s32 s21, s5  }
0xa3: {  	[timem:s9], [sflag:s22] =	dma.local [hbm:s7], s20  }
0xa4: {  	_ =	swait.ge [sflag:s22], s20  }
0xa5: {  	s6 =	ssub.s32 $0x0, s20;
	[sflag:s22] =	ssyncset.done $0x0  }
0xa6: {  	[sflag:s22] =	ssyncadd.s32 s6;
	_ =	sdelay $0x1  }
0xa7: {  	s23 =	simm.s32 $0x1B8B  }
0xa8: {  	_ =	swait.ge [sflag:s23], $0x1  }
0xa9: {  	[sflag:s23] =	ssyncset.done $0x0  }
0xaa: {  	s25 =	simm.s32 $0x1B8E;
	s24 =	sld [smem:$0x3FFE];
	[sflag:s23] =	ssyncadd.s32 $0xFFFFFFFF  }
0xab: {  	s26 =	simm.s32 $execute0_lowered;
	[smem:$0x3FD2] =	sst s25  }
0xac: {  	s7 =	sshll.u32 s26, $0x1;
	_ =	strace $0x80000046;
	[dreg:$0x1] =	wrdreg $0xFFFFFFFF  }
0xad: {  	s28 =	simm.s32 $_size_execute0_lowered;
	s5 =	sadd.s32 s5, s7;
	[dreg:$0x0] =	wrdreg $0x0  }
0xae: {  	s7 =	sshll.u32 s28, $0x1;
	[dreg:$0x2] =	wrdreg s5  }
0xaf: {  	[dreg:$0x3] =	wrdreg s7  }
0xb0: {  	[dreg:$0x4] =	wrdreg $0xC0  }
0xb1: {  	_ =	task [dreg:s9], $0x5FFFF  }
0xb2: {  	[dreg:$0x1] =	wrdreg $0xFFFFFFFF  }
0xb3: {  	[dreg:$0x0] =	wrdreg $0x60  }
0xb4: {  	[dreg:$0x2] =	wrdreg s15  }
0xb5: {  	[dreg:$0x3] =	wrdreg s17  }
0xb6: {  	[dreg:$0x4] =	wrdreg s16  }
0xb7: {  	[dreg:$0x5] =	wrdreg s24  }
0xb8: {  	[dreg:$0x6] =	wrdreg $0x9  }
0xb9: {  	_ =	task.clear_ibuf [dreg:s9], $0x7FFFF;
	_ =	strace $0x90000046  }
0xba: {  	s29 =	simm.s32 $0x9;
	_ =	strace $0x80000048  }
0xbb: {  	_ =	swait.ge [sflag:s29], $0x1  }
0xbc: {  	[sflag:s29] =	ssyncadd.s32 $0xFFFFFFFF  }
0xbd: {  	_ =	strace $0x90000048  }
0xbe: {  	_ =	sfence  }
0xbf: {  	s30 =	sld [smem:$0x0];
	_ =	sdelay $0x2  }
0xc0: {  	s31 =	sshll.u32 s1, $0xD;
	s1 =	sshrl.u32 s1, $0x2  }
0xc1: {  	s3 =	sand.u32 $0x4000, s31;
	s1 =	sadd.s32 s1, s30  }
0xc2: {  	s0 =	sor.u32 s3, s0;
	s1 =	sshll.u32 s1, $0x11  }
0xc3: {  	s0 =	sor.u32 s1, s0  }
0xc4: {  	s0 =	sadd.s32 $0x8F2B, s0  }
0xc5: {  	[sflag:s0] =	ssyncadd.remote.s32 $0x1  }
0xc6: {  	_ =	sfence.sel $0xFFFF  }
0xc7: {  	[dreg:$0x0] =	wrdreg $0xFFFFFFFF;
	(pc) =	sbr.abs _section_cstart, $3  }
0xc8: {  	[dreg:$0x1] =	wrdreg $0xFFFFFFFF  }
0xc9: {  	_ =	task.clear_ibuf [dreg:s9], $0x2FFFF;
	_ =	strace $0x9FFFFFFF  }
0xca: {  	(tm) =	ssettm $0x7FFFFFFF  }
0xcb: {  	_ =	shalt  }
tec
execute0_lowered:
.L_overlay_start_1:
0x0: {  	(tag) =	ssettag $0x1  }
0x1: {  	s1 =	rddreg [dreg:$0x0]  }
0x2: {  	s5 =	rddreg [dreg:$0x1]  }
0x3: {  	s6 =	rddreg [dreg:$0x2]  }
0x4: {  	s7 =	rddreg [dreg:$0x3]  }
0x5: {  	s0 =	rddreg [dreg:$0x4];
	s2 =	stileid.u32  }
0x6: {  	s4 =	srdreg.scid;
	s3 =	simm.s32 $0x0;
	s13 =	simm.s32 $0x2710  }
0x7: {  	s14 =	simm.s32 $0x7530;
	s15 =	simm.s32 $0x9C40;
	s16 =	simm.s32 $0x50  }
0x8: {  	s17 =	simm.s32 $0xC350;
	s18 =	simm.s32 $0x1;
	s8 =	sand.u32 $0x1, s4  }
0x9: {  	s30 =	sshll.u32 s2, $0x1;
	[smem:$0x7FF] =	sst s3;
	s9 =	smul.u32 $0x4E200, s2  }
0xa: {  	s4 =	sor.u32 s8, s30;
	s11 =	ssub.s32 $0x2, s8;
	s8 =	smul.u32 $0x27100, s8  }
0xb: {  	s19 =	simm.s32 $0x0;
	_ =	strace $0x80000047;
	s10 =	smul.u32 $0x2710, s4  }
0xc: {  	s4 =	sadd.s32 $0x4A00, s7;
	s9 =	sadd.s32 s9, s7;
	s12 =	sshrl.u32 s11, $0x1  }
0xd: {  	s11 =	ssub.s32 s11, s12;
	s31 =	sadd.s32 s8, s9;
	s12 =	simm.s32 $0x2  }
0xe: {  	s10 =	sshrl.u32 s10, $0x3;
	s8 =	smax.u32 s11, $0x1;
	s9 =	sadd.s32 $0xEE00, s31  }
0xf: {  	s11 =	sadd.s32 $0x9D2E00, s31;
	s7 =	sadd.s32 s10, s7;
	s5 =	sadd.s32 s5, s10  }
0x10: {  	v0 =	vimm.f32 $0.0e+00;
	v1 =	vimm.f32 $1.000000000e+00;
	s6 =	sadd.s32 s6, s10;
	s10 =	sadd.s32 $0x4F0E00, s31;
	s7 =	sadd.s32 $0x5000, s7  }
.LBB2_1:
0x11: {  	[tilespmem:s3], [sflag:$0x2] =	stream.linear.gather [hbm4b:s5+s3], $0x2710, $0x38;
	[tilespmem:$0xEB50] =	vst v63  }
0x12: {  	_ =	swait.ge [sflag:s12], $0x2710  }
0x13: {  	[sflag:s12] =	ssyncset.done $0x0  }
0x14: {  	[sflag:s12] =	ssyncadd.s32 $0xFFFFD8F0  }
0x15: {  	[tilespmem:s13], [sflag:$0x2] =	stream.linear.gather [hbm4b:s6+s3], $0x2710, $0x38;
	[tilespmem:$0xEB50] =	vst v63  }
0x16: {  	_ =	swait.ge [sflag:s12], $0x2710  }
0x17: {  	[sflag:s12] =	ssyncset.done $0x0  }
0x18: {  	[sflag:s12] =	ssyncadd.s32 $0xFFFFD8F0  }
0x19: {  	[tilespmem:s14], [sflag:$0x2] =	stream.linear.gather [hbm4b:s4+s3], $0x2710, $0x38;
	[tilespmem:$0xEB50] =	vst v63  }
0x1a: {  	_ =	swait.ge [sflag:s12], $0x2710  }
0x1b: {  	[sflag:s12] =	ssyncset.done $0x0  }
0x1c: {  	s20 =	simm.s32 $0x0;
	[sflag:s12] =	ssyncadd.s32 $0xFFFFD8F0  }
0x1d: {  	v2 =	vld [tilespmem:s20+$0x0];
	_ =	sdelay $0x7  }
0x1e: {  	s21 =	simm.s32 $0x10;
	s22 =	simm.s32 $0x80;
	v2 =	vld.idx.msk [tilespmem:v2+s14+$0x0], $0xffff  }
.LBB2_2:
0x1f: {  	p0 =	sne.s32 s22, $0x9C00;
	v3 =	vld [tilespmem:s21+$0x0];
	_ =	sdelay $0x3  }
.Ltmp0:
0x20: {  	(pc) =	sbr.rel @p0 .LBB2_2-.Ltmp0, $2  }
0x21: {  	[tilespmem:s20+$0x4E20] =	vst v2;
	s20 =	smov.u32 s21;
	_ =	sdelay $0x2  }
0x22: {  	s21 =	sshra.s32 s22, $0x2;
	s22 =	sadd.s32 $0x40, s22;
	v2 =	vld.idx.msk [tilespmem:v3+s14+$0x0], $0xffff  }
0x23: {  	v3 =	vld [tilespmem:s21+$0x0];
	_ =	sdelay $0x6  }
0x24: {  	[tilespmem:s20+$0x4E20] =	vst v2  }
0x25: {  	v2 =	vld.idx.msk [tilespmem:v3+s14+$0x0], $0xffff;
	_ =	sdelay $0x4  }
0x26: {  	s20 =	simm.s32 $0x40;
	[tilespmem:s21+$0x4E20] =	vst v2;
	s21 =	simm.s32 $0x0  }
.LBB2_4:
0x27: {  	p0 =	sne.s32 s20, $0x9C00;
	[tilespmem:s21+$0x9C40] =	vst v0;
	s21 =	smov.u32 s20;
	s20 =	sadd.s32 $0x40, s20  }
.Ltmp1:
0x28: {  	(pc) =	sbr.rel @p0 .LBB2_4-.Ltmp1, $2  }
0x29: {  	_ =	sdelay $0x2  }
0x2a: {  	s21 =	sshra.s32 s21, $0x2  }
0x2b: {  	[tilespmem:s21+$0x9C40] =	vst v0;
	s21 =	simm.s32 $0x0;
	s20 =	simm.s32 $0x40  }
.LBB2_6:
0x2c: {  	p0 =	sne.s32 s20, $0x9C00;
	v2 =	vld [tilespmem:s21+$0x2710];
	_ =	sdelay $0x3  }
.Ltmp2:
0x2d: {  	(pc) =	sbr.rel @p0 .LBB2_6-.Ltmp2, $2  }
0x2e: {  	_ =	sdelay $0x2  }
0x2f: {  	s21 =	sshra.s32 s20, $0x2;
	s20 =	sadd.s32 $0x40, s20;
	[tilespmem:v2+s15+$0x0] =	vst.idx.add.f32.msk $0xffff, v1  }
0x30: {  	v2 =	vld [tilespmem:s21+$0x2710];
	_ =	sdelay $0x7  }
0x31: {  	s20 =	simm.s32 $0x0;
	[tilespmem:v2+s15+$0x0] =	vst.idx.add.f32.msk $0xffff, v1  }
0x32: {  	[hbm4b:s7+s20] =	stream.linear.scatter [tilespmem:s15], [sflag:$0x2], $0x2710, $0x38;
	[tilespmem:$0xEB50] =	vst v63  }
0x33: {  	_ =	swait.ge [sflag:s12], $0x2710  }
0x34: {  	[sflag:s12] =	ssyncset.done $0x0  }
0x35: {  	s31 =	simm.s32 $0x0;
	[sflag:s12] =	ssyncadd.s32 $0xFFFFD8F0  }
0x36: {  	[tilespmem:s17], [sflag:$0x1] =	stream.indirect.gather [hbm4b:s1+s16], $0x80, s31, s16, $0xb8;
	[tilespmem:$0xEB50] =	vst v63  }
0x37: {  	_ =	swait.ge [sflag:s18], $0x2800  }
0x38: {  	[sflag:s18] =	ssyncset.done $0x0  }
0x39: {  	[sflag:s18] =	ssyncadd.s32 $0xFFFFD800  }
0x3a: {  	[hbm4b:s9+s20] =	stream.linear.scatter [tilespmem:s17], [sflag:$0x2], $0x2800, $0x38;
	[tilespmem:$0xEB50] =	vst v63  }
0x3b: {  	s22 =	simm.s32 $0x140;
	_ =	swait.ge [sflag:s12], $0x2800  }
0x3c: {  	s23 =	simm.s32 $0x280;
	s21 =	sadd.s32 $0x500, s9;
	[sflag:s12] =	ssyncset.done $0x0  }
.LBB2_8:
0x3d: {  	s24 =	sshra.s32 s22, $0x2  }
0x3e: {  	[sflag:s12] =	ssyncadd.s32 $0xFFFFD800;
	s22 =	smov.u32 s23;
	s25 =	sadd.s32 $0x140, s23  }
0x3f: {  	[tilespmem:s17], [sflag:$0x1] =	stream.indirect.gather [hbm4b:s1+s16], $0x80, s24, s16, $0xb8;
	[tilespmem:$0xEB50] =	vst v63  }
0x40: {  	p0 =	sne.s32 s23, $0x9B00;
	_ =	swait.ge [sflag:s18], $0x2800  }
.Ltmp3:
0x41: {  	[sflag:s18] =	ssyncset.done $0x0;
	(pc) =	sbr.rel @p0 .LBB2_8-.Ltmp3, $4  }
0x42: {  	[sflag:s18] =	ssyncadd.s32 $0xFFFFD800  }
0x43: {  	[hbm4b:s21+s20] =	stream.linear.scatter [tilespmem:s17], [sflag:$0x2], $0x2800, $0x38;
	[tilespmem:$0xEB50] =	vst v63  }
0x44: {  	_ =	swait.ge [sflag:s12], $0x2800  }
0x45: {  	s23 =	smov.u32 s25;
	s21 =	sadd.s32 $0x500, s21;
	[sflag:s12] =	ssyncset.done $0x0  }
0x46: {  	s22 =	sshra.s32 s22, $0x2;
	[sflag:s12] =	ssyncadd.s32 $0xFFFFD800  }
0x47: {  	[tilespmem:s17], [sflag:$0x1] =	stream.indirect.gather [hbm4b:s1+s16], $0x80, s22, s16, $0xb8;
	[tilespmem:$0xEB50] =	vst v63  }
0x48: {  	_ =	swait.ge [sflag:s18], $0x2800  }
0x49: {  	[sflag:s18] =	ssyncset.done $0x0  }
0x4a: {  	[sflag:s18] =	ssyncadd.s32 $0xFFFFD800  }
0x4b: {  	[hbm4b:s21+s20] =	stream.linear.scatter [tilespmem:s17], [sflag:$0x2], $0x2800, $0x38;
	[tilespmem:$0xEB50] =	vst v63  }
0x4c: {  	_ =	swait.ge [sflag:s12], $0x2800  }
0x4d: {  	[sflag:s12] =	ssyncset.done $0x0  }
0x4e: {  	s31 =	simm.s32 $0x2710;
	[sflag:s12] =	ssyncadd.s32 $0xFFFFD800  }
0x4f: {  	[tilespmem:s17], [sflag:$0x1] =	stream.indirect.gather [hbm4b:s1+s16], $0x80, s31, s16, $0xb8;
	[tilespmem:$0xEB50] =	vst v63  }
0x50: {  	_ =	swait.ge [sflag:s18], $0x2800  }
0x51: {  	[sflag:s18] =	ssyncset.done $0x0  }
0x52: {  	s21 =	simm.s32 $0x0;
	[sflag:s18] =	ssyncadd.s32 $0xFFFFD800  }
0x53: {  	[hbm4b:s10+s21] =	stream.linear.scatter [tilespmem:s17], [sflag:$0x2], $0x2800, $0x38;
	[tilespmem:$0xEB50] =	vst v63  }
0x54: {  	s23 =	simm.s32 $0x50;
	_ =	swait.ge [sflag:s12], $0x2800  }
0x55: {  	s22 =	simm.s32 $0x280;
	s20 =	sadd.s32 $0x500, s10;
	[sflag:s12] =	ssyncset.done $0x0  }
.LBB2_10:
0x56: {  	s23 =	sadd.s32 $0x2710, s23  }
0x57: {  	[sflag:s12] =	ssyncadd.s32 $0xFFFFD800;
	s24 =	smov.u32 s22;
	s25 =	sadd.s32 $0x140, s22  }
0x58: {  	[tilespmem:s17], [sflag:$0x1] =	stream.indirect.gather [hbm4b:s1+s16], $0x80, s23, s16, $0xb8;
	[tilespmem:$0xEB50] =	vst v63  }
0x59: {  	p0 =	sne.s32 s22, $0x9B00;
	_ =	swait.ge [sflag:s18], $0x2800  }
.Ltmp4:
0x5a: {  	[sflag:s18] =	ssyncset.done $0x0;
	(pc) =	sbr.rel @p0 .LBB2_10-.Ltmp4, $4  }
0x5b: {  	[sflag:s18] =	ssyncadd.s32 $0xFFFFD800  }
0x5c: {  	[hbm4b:s20+s21] =	stream.linear.scatter [tilespmem:s17], [sflag:$0x2], $0x2800, $0x38;
	[tilespmem:$0xEB50] =	vst v63  }
0x5d: {  	s23 =	sshra.s32 s24, $0x2;
	_ =	swait.ge [sflag:s12], $0x2800  }
0x5e: {  	s22 =	smov.u32 s25;
	s20 =	sadd.s32 $0x500, s20;
	[sflag:s12] =	ssyncset.done $0x0  }
0x5f: {  	s21 =	sadd.s32 $0x2710, s23;
	[sflag:s12] =	ssyncadd.s32 $0xFFFFD800  }
0x60: {  	[tilespmem:s17], [sflag:$0x1] =	stream.indirect.gather [hbm4b:s1+s16], $0x80, s21, s16, $0xb8;
	[tilespmem:$0xEB50] =	vst v63  }
0x61: {  	_ =	swait.ge [sflag:s18], $0x2800  }
0x62: {  	p1 =	por $0x1, $0x1;
	[sflag:s18] =	ssyncset.done $0x0  }
.Ltmp5:
0x63: {  	s31 =	simm.s32 $0x0;
	[sflag:s18] =	ssyncadd.s32 $0xFFFFD800;
	(pc) =	sbr.rel @!p1 .LBB2_14-.Ltmp5, $4  }
0x64: {  	[hbm4b:s20+s31] =	stream.linear.scatter [tilespmem:s17], [sflag:$0x2], $0x2800, $0x38;
	[tilespmem:$0xEB50] =	vst v63  }
0x65: {  	_ =	swait.ge [sflag:s12], $0x2800  }
0x66: {  	s22 =	simm.s32 $0x0;
	[sflag:s12] =	ssyncset.done $0x0  }
0x67: {  	p0 =	por $0x0, $0x0;
	s20 =	smov.u32 s11;
	[sflag:s12] =	ssyncadd.s32 $0xFFFFD800  }
0x68: {  	s20 =	simm.s32 $0x4E20  }
0x69: {  	[tilespmem:s17], [sflag:$0x1] =	stream.indirect.gather [hbm4b:s1+s16], $0x80, s20, s16, $0xb8;
	[tilespmem:$0xEB50] =	vst v63  }
0x6a: {  	p1 =	por $0x1, $0x1;
	_ =	swait.ge [sflag:s18], $0x2800  }
.Ltmp6:
0x6b: {  	[sflag:s18] =	ssyncset.done $0x0;
	(pc) =	sbr.rel @!p1 .LBB2_14-.Ltmp6, $4  }
0x6c: {  	[sflag:s18] =	ssyncadd.s32 $0xFFFFD800  }
0x6d: {  	[hbm4b:s11+s3] =	stream.linear.scatter [tilespmem:s17], [sflag:$0x2], $0x2800, $0x38;
	[tilespmem:$0xEB50] =	vst v63  }
0x6e: {  	s21 =	simm.s32 $0x280;
	s22 =	simm.s32 $0x50;
	_ =	swait.ge [sflag:s12], $0x2800  }
0x6f: {  	p0 =	por $0x1, $0x1;
	s20 =	sadd.s32 $0x500, s11;
	[sflag:s12] =	ssyncset.done $0x0  }
.LBB2_13:
0x70: {  	s22 =	sadd.s32 $0x4E20, s22  }
0x71: {  	[sflag:s12] =	ssyncadd.s32 $0xFFFFD800;
	s23 =	smov.u32 s21;
	s24 =	sadd.s32 $0x140, s21  }
0x72: {  	[tilespmem:s17], [sflag:$0x1] =	stream.indirect.gather [hbm4b:s1+s16], $0x80, s22, s16, $0xb8;
	[tilespmem:$0xEB50] =	vst v63  }
0x73: {  	p1 =	sne.s32 s21, $0x9B00;
	_ =	swait.ge [sflag:s18], $0x2800  }
.Ltmp7:
0x74: {  	[sflag:s18] =	ssyncset.done $0x0;
	(pc) =	sbr.rel @p1 .LBB2_13-.Ltmp7, $4  }
0x75: {  	[sflag:s18] =	ssyncadd.s32 $0xFFFFD800  }
0x76: {  	[hbm4b:s20+s3] =	stream.linear.scatter [tilespmem:s17], [sflag:$0x2], $0x2800, $0x38;
	[tilespmem:$0xEB50] =	vst v63  }
0x77: {  	s22 =	sshra.s32 s23, $0x2;
	_ =	swait.ge [sflag:s12], $0x2800  }
0x78: {  	s21 =	smov.u32 s24;
	s20 =	sadd.s32 $0x500, s20;
	[sflag:s12] =	ssyncset.done $0x0  }
.LBB2_14:
0x79: {  	s21 =	sadd.s32 $0x4E20, s22;
	[sflag:s12] =	ssyncadd.s32 @p0 $0xFFFFD800  }
0x7a: {  	[tilespmem:s17], [sflag:$0x1] =	stream.indirect.gather [hbm4b:s1+s16], $0x80, s21, s16, $0xb8;
	[tilespmem:$0xEB50] =	vst v63  }
0x7b: {  	s19 =	sadd.s32 $0x1, s19;
	_ =	swait.ge [sflag:s18], $0x2800  }
0x7c: {  	p0 =	sne.s32 s19, s8;
	[sflag:s18] =	ssyncset.done $0x0  }
.Ltmp8:
0x7d: {  	[sflag:s18] =	ssyncadd.s32 $0xFFFFD800;
	(pc) =	sbr.rel @p0 .LBB2_1-.Ltmp8, $4  }
0x7e: {  	[hbm4b:s20+s3] =	stream.linear.scatter [tilespmem:s17], [sflag:$0x2], $0x2800, $0x38;
	[tilespmem:$0xEB50] =	vst v63  }
0x7f: {  	_ =	swait.ge [sflag:s12], $0x2800  }
0x80: {  	[sflag:s12] =	ssyncset.done $0x0  }
0x81: {  	[sflag:s12] =	ssyncadd.s32 $0xFFFFD800  }
0x82: {  	_ =	sfence.sel $0x180000  }
0x83: {  	[bflag:$0x0] =	sbarrier.arrive $0xFFFF  }
0x84: {  	p0 =	sne.s32 s2, $0x0;
	_ =	strace $0x90000047  }
0x85: {  	s0 =	sadd.s32 @!p0 $0x100000, s0;
	[bflag:$0x2] =	sbarrier.arrive $0xFFFF  }
0x86: {  	[sflag:s0] =	ssyncadd.tile.s32 @!p0 $0x1;
	_ =	shalt  }
.Lfunc_end2:
_tile_overlayer_lowered:
.L_overlay_start_2:
0x87: {  	(tag) =	ssettag $0x2  }
0x88: {  	s0 =	rddreg [dreg:$0x0];
	s2 =	stileid.u32  }
0x89: {  	s1 =	rddreg [dreg:$0x1];
	p0 =	sne.s32 s2, $0x0  }
0x8a: {  	s3 =	rddreg [dreg:$0x2];
	[bflag:$0x3] =	sbarrier.arrive $0xFFFF;
	s2 =	simm.s32 @!p0 $0x1C02  }
0x8b: {  	[timem:s3], [sflag:s2] =	dma.local @!p0 [hbm:s0], s1  }
0x8c: {  	s0 =	simm.s32 @!p0 $0x2  }
0x8d: {  	_ =	swait.ge @!p0 [sflag:s0], s1  }
0x8e: {  	s1 =	ssub.s32 @!p0 $0x0, s1;
	[sflag:s0] =	ssyncset.done @!p0 $0x0  }
0x8f: {  	[sflag:s0] =	ssyncadd.s32 @!p0 s1  }
0x90: {  	[bflag:$0x3] =	sbarrier.arrive $0xFFFF  }
0x91: {  	_ =	shalt  }

</sc_bundles>
